<compile_context>
chip_gen: v7x
topology: tpu7x:2x2x1
jax: 0.10.2.dev20260603
libtpu: 0.0.44.dev20260713+nightly
codegen_flags: <defaults>
</compile_context>

<pallas_src>
import functools

import jax
import jax.numpy as jnp
from jax import lax
from jax.experimental import pallas as pl
from jax.experimental.pallas import tpu as pltpu
from jax.experimental.pallas import tpu_sc as plsc

NC = 2
NS = 16
NW = NC * NS
CH = 64
NB = 4


def _transform1_body(x_ref, w_ref, b_ref, t_ref, s_ref, *, rh):
    h = x_ref[...]
    out = jnp.dot(h, w_ref[...], preferred_element_type=jnp.float32)
    t_ref[...] = out[:, :rh]
    s_ref[...] = out[:, rh:] + b_ref[...]


def _transform2_body(p0_ref, p1_ref, w_ref, b_ref, t_ref, s_ref, *, rh):
    h = jnp.maximum(p0_ref[...] + p1_ref[...], 0.0)
    out = jnp.dot(h, w_ref[...], preferred_element_type=jnp.float32)
    t_ref[...] = out[:, :rh]
    s_ref[...] = out[:, rh:] + b_ref[...]


def _add_body(p0_ref, p1_ref, o_ref):
    o_ref[...] = p0_ref[...] + p1_ref[...]


def _make_transform(n, d, rh, h_out, bn, two_inputs):
    grid = (n // bn,)
    body = _transform2_body if two_inputs else _transform1_body
    in_specs = [pl.BlockSpec((bn, d), lambda i: (i, 0))]
    if two_inputs:
        in_specs.append(pl.BlockSpec((bn, d), lambda i: (i, 0)))
    in_specs += [
        pl.BlockSpec((d, rh + h_out), lambda i: (0, 0)),
        pl.BlockSpec((1, h_out), lambda i: (0, 0)),
    ]
    return pl.pallas_call(
        functools.partial(body, rh=rh),
        grid=grid,
        in_specs=in_specs,
        out_specs=[
            pl.BlockSpec((bn, rh), lambda i: (i, 0)),
            pl.BlockSpec((bn, h_out), lambda i: (i, 0)),
        ],
        out_shape=[
            jax.ShapeDtypeStruct((n, rh), jnp.float32),
            jax.ShapeDtypeStruct((n, h_out), jnp.float32),
        ],
    )


def _make_add(n, h, bn):
    return pl.pallas_call(
        _add_body,
        grid=(n // bn,),
        in_specs=[
            pl.BlockSpec((bn, h), lambda i: (i, 0)),
            pl.BlockSpec((bn, h), lambda i: (i, 0)),
        ],
        out_specs=pl.BlockSpec((bn, h), lambda i: (i, 0)),
        out_shape=jax.ShapeDtypeStruct((n, h), jnp.float32),
    )


def _make_sc_agg(n, h, e_pad, acc_rows):
    epw = e_pad // NW
    nch = epw // CH
    rpt = acc_rows // NS
    last_rows = n - (NS - 1) * rpt
    mesh = plsc.VectorSubcoreMesh(core_axis_name="c", subcore_axis_name="s")

    @functools.partial(
        pl.kernel,
        out_type=jax.ShapeDtypeStruct((2, n, h), jnp.float32),
        mesh=mesh,
        scratch_types=[
            pltpu.VMEM((nch // 2, 2 * CH), jnp.int32),
            pltpu.VMEM((nch, CH), jnp.int32),
            pltpu.VMEM((NB, CH, h), jnp.float32),
            pltpu.VMEM_SHARED((acc_rows, h), jnp.float32),
        ] + [pltpu.SemaphoreType.DMA] * (1 + 2 * NB),
    )
    def sc_agg(t_hbm, keys_hbm, dsts_hbm, init_hbm, zeros_hbm, out_hbm,
               key_v, dst_v, rows_v, acc, semi, *sems):
        sem_g = sems[:NB]
        sem_s = sems[NB:]
        c = lax.axis_index("c")
        s = lax.axis_index("s")
        w = c * NS + s
        row0 = s * rpt

        pltpu.async_copy(keys_hbm.at[w], key_v, semi)
        pltpu.async_copy(dsts_hbm.at[w], dst_v, semi)

        @pl.when(c == 0)
        def _():
            @pl.when(s < NS - 1)
            def _():
                pltpu.sync_copy(init_hbm.at[pl.ds(row0, rpt)],
                                acc.at[pl.ds(row0, rpt)])

            @pl.when(s == NS - 1)
            def _():
                pltpu.sync_copy(init_hbm.at[pl.ds(row0, last_rows)],
                                acc.at[pl.ds(row0, last_rows)])
                pltpu.sync_copy(
                    zeros_hbm.at[pl.ds(row0 + last_rows, rpt - last_rows)],
                    acc.at[pl.ds(row0 + last_rows, rpt - last_rows)])

        @pl.when(c == 1)
        def _():
            pltpu.sync_copy(zeros_hbm.at[pl.ds(row0, rpt)],
                            acc.at[pl.ds(row0, rpt)])

        plsc.subcore_barrier()

        pltpu.make_async_copy(keys_hbm.at[w], key_v, semi).wait()
        pltpu.make_async_copy(dsts_hbm.at[w], dst_v, semi).wait()

        def kidx(j):
            return key_v.at[j // 2, pl.ds((j % 2) * CH, CH)]

        @pl.when(c == 1)
        def _():
            pltpu.async_copy(t_hbm.at[kidx(0)], rows_v.at[0], sem_g[0])
            pltpu.async_copy(t_hbm.at[kidx(1)], rows_v.at[1], sem_g[1])

        def rounds(q, carry):
            for b in range(NB):
                j = q * NB + b
                pltpu.make_async_copy(t_hbm.at[kidx(j)],
                                      rows_v.at[b], sem_g[b]).wait()
                bb = (b + 2) % NB
                jj = j + 2

                @pl.when(jj < nch)
                def _(j=j, b=b, bb=bb, jj=jj):
                    pltpu.async_copy(t_hbm.at[kidx(jj)],
                                     rows_v.at[bb], sem_g[bb])
            return carry

        @pl.when(c == 1)
        def _():
            lax.fori_loop(0, nch // NB, rounds, 0)

        plsc.subcore_barrier()

        @pl.when(s < NS - 1)
        def _():
            pltpu.sync_copy(acc.at[pl.ds(row0, rpt)],
                            out_hbm.at[c, pl.ds(row0, rpt)])

        @pl.when(s == NS - 1)
        def _():
            pltpu.sync_copy(acc.at[pl.ds(row0, last_rows)],
                            out_hbm.at[c, pl.ds(row0, last_rows)])

        plsc.subcore_barrier()

    return sc_agg


def kernel(x, edge_index, edge_type, W1, self_w1, b1, W2, self_w2, b2):
    n, d = x.shape
    r, _, h = W1.shape
    o = W2.shape[2]
    e = edge_type.shape[0]

    gran = NW * CH * NB
    e_pad = ((e + gran - 1) // gran) * gran
    acc_rows = ((n + 1 + NS * 8 - 1) // (NS * 8)) * NS * 8
    pad = e_pad - e

    keys = edge_index[0] * r + edge_type
    keys = jnp.concatenate([keys, jnp.zeros((pad,), jnp.int32)])
    pad_dst = n + (jnp.arange(pad, dtype=jnp.int32) % (acc_rows - n))
    dsts = jnp.concatenate([edge_index[1], pad_dst])
    keys = keys.reshape(NW, -1, 2 * CH)
    dsts = dsts.reshape(NW, -1, CH)
    zeros_acc = jnp.zeros((acc_rows, h), jnp.float32)

    w_all1 = jnp.concatenate(
        [jnp.transpose(W1, (1, 0, 2)).reshape(d, r * h), self_w1], axis=1)
    w_all2 = jnp.concatenate(
        [jnp.transpose(W2, (1, 0, 2)).reshape(h, r * o), self_w2], axis=1)

    bn = 1000
    transform1 = _make_transform(n, d, r * h, h, bn, two_inputs=False)
    transform2 = _make_transform(n, h, r * o, o, bn, two_inputs=True)
    sc_agg1 = _make_sc_agg(n, h, e_pad, acc_rows)
    sc_agg2 = sc_agg1 if o == h else _make_sc_agg(n, o, e_pad, acc_rows)
    add = _make_add(n, o, bn)

    t1, s1b = transform1(x, w_all1, b1.reshape(1, h))
    parts1 = sc_agg1(t1.reshape(n * r, h), keys, dsts, s1b, zeros_acc)
    t2, s2b = transform2(parts1[0], parts1[1], w_all2, b2.reshape(1, o))
    parts2 = sc_agg2(t2.reshape(n * r, o), keys, dsts, s2b, zeros_acc)
    return add(parts2[0], parts2[1])

# --- scband reference (transcript-rebuilt; emitter-appended) ---
"""Pipeline reference for scband-rgcn-3229815407101 (READ-ONLY COPY).

The authoritative reference and input builder live on the scoring server;
editing this copy changes nothing except your own understanding.
"""

import jax, jax.numpy as jnp
import numpy as np

N = 10000   # nodes
E = 160000  # edges
R = 8       # relations
D = 128     # in_channels
H = 128     # hidden_channels
O = 128     # out_channels


def _xavier(key, shape):
    fan_in, fan_out = shape[-2], shape[-1]
    limit = np.sqrt(6.0 / (fan_in + fan_out))
    return jax.random.uniform(key, shape, dtype=jnp.float32, minval=-limit, maxval=limit)


def setup_inputs(seed: int = 0) -> dict:
    key = jax.random.key(seed)
    ks = jax.random.split(key, 10)
    x = jax.random.normal(ks[0], (N, D), dtype=jnp.float32)
    edge_index = jax.random.randint(ks[1], (2, E), 0, N, dtype=jnp.int32)
    edge_type = jax.random.randint(ks[2], (E,), 0, R, dtype=jnp.int32)
    # Layer 1 params
    W1 = _xavier(ks[3], (R, D, H))
    self_w1 = _xavier(ks[4], (D, H))
    b1 = jnp.zeros((H,), dtype=jnp.float32)
    # Layer 2 params
    W2 = _xavier(ks[5], (R, H, O))
    self_w2 = _xavier(ks[6], (H, O))
    b2 = jnp.zeros((O,), dtype=jnp.float32)
    return {"x": x, "edge_index": edge_index, "edge_type": edge_type,
            "W1": W1, "self_w1": self_w1, "b1": b1,
            "W2": W2, "self_w2": self_w2, "b2": b2}


def _rgcn_layer(h, edge_index, edge_type, W, self_w, b):
    # message: bmm(x_j.unsqueeze(1), weight[edge_type]).squeeze(1)
    # Mathematically identical relation-grouped form (avoids materializing [E, in, out]):
    # msg_e = x_j_e @ W[edge_type_e] = sum_r 1[edge_type_e == r] * (x_j_e @ W[r])
    src = edge_index[0]
    dst = edge_index[1]
    h_j = h[src]                                  # gather source node feats [E, in]
    out_dim = W.shape[2]
    msgs = jnp.zeros((h_j.shape[0], out_dim), dtype=h.dtype)
    for r in range(R):
        msgs = msgs + jnp.where((edge_type == r)[:, None], h_j @ W[r], 0.0)
    # aggr='add' at destination nodes
    agg = jax.ops.segment_sum(msgs, dst, num_segments=N)
    # self loop + bias
    return agg + h @ self_w + b


def reference(x, edge_index, edge_type, W1, self_w1, b1, W2, self_w2, b2):
    h = _rgcn_layer(x, edge_index, edge_type, W1, self_w1, b1)
    h = jax.nn.relu(h)  # dropout p=0.0 is identity
    h = _rgcn_layer(h, edge_index, edge_type, W2, self_w2, b2)
    return h

if __name__ == "__main__":
    import jax
    _d = setup_inputs()
    print(jax.jit(kernel)(*tuple(_d.values())))

</pallas_src>

<mosaic_0001>
#map = affine_map<(d0, d1) -> (0, 0)>
#map1 = affine_map<(d0, d1) -> (0, 0, 0)>
module attributes {stable_mosaic.version = 14 : i64} {
  func.func @sc_agg(%arg0: i32, %arg1: i32, %arg2: memref<80000x128xf32, #tpu.memory_space<hbm>>, %arg3: memref<32x40x128xi32, #tpu.memory_space<hbm>>, %arg4: memref<32x80x64xi32, #tpu.memory_space<hbm>>, %arg5: memref<10000x128xf32, #tpu.memory_space<hbm>>, %arg6: memref<10112x128xf32, #tpu.memory_space<hbm>>, %arg7: memref<2x10000x128xf32, #tpu.memory_space<hbm>>, %arg8: memref<40x128xi32, #tpu.memory_space<vmem>>, %arg9: memref<80x64xi32, #tpu.memory_space<vmem>>, %arg10: memref<4x64x128xf32, #tpu.memory_space<vmem>>, %arg11: memref<10112x128xf32, #tpu.memory_space<vmem_shared>>, %arg12: memref<!tpu.dma_semaphore, #tpu.memory_space<semaphore_mem>>, %arg13: memref<!tpu.dma_semaphore, #tpu.memory_space<semaphore_mem>>, %arg14: memref<!tpu.dma_semaphore, #tpu.memory_space<semaphore_mem>>, %arg15: memref<!tpu.dma_semaphore, #tpu.memory_space<semaphore_mem>>, %arg16: memref<!tpu.dma_semaphore, #tpu.memory_space<semaphore_mem>>, %arg17: memref<!tpu.dma_semaphore, #tpu.memory_space<semaphore_mem>>, %arg18: memref<!tpu.dma_semaphore, #tpu.memory_space<semaphore_mem>>, %arg19: memref<!tpu.dma_semaphore, #tpu.memory_space<semaphore_mem>>, %arg20: memref<!tpu.dma_semaphore, #tpu.memory_space<semaphore_mem>>) attributes {dimension_semantics = [#tpu.dimension_semantics<core_parallel>, #tpu.dimension_semantics<subcore_parallel>], iteration_bounds = array<i64: 2, 16>, scalar_prefetch = 0 : i64, scratch_operands = 13 : i64, tpu.core_type = #tpu.core_type<sc_vector_subcore>, window_params = [{transform_indices = #map}, {transform_indices = #map1}, {transform_indices = #map1}, {transform_indices = #map}, {transform_indices = #map}, {transform_indices = #map1}]} {
    %mul3A = arith.constant 16 : i32
    %mul3A_0 = arith.muli %arg0, %mul3A : i32
    %add3A = arith.addi %mul3A_0, %arg1 : i32
    %mul3A_1 = arith.constant 632 : i32
    %mul3A_2 = arith.muli %arg1, %mul3A_1 : i32
    %dma_start3A = arith.constant 0 : i32
    %dma_start3A_3 = arith.constant 0 : i32
    %dma_start3A_4 = tpu.memref_slice %arg3[%add3A, %dma_start3A, %dma_start3A_3] : memref<32x40x128xi32, #tpu.memory_space<hbm>> -> memref<1x40x128xi32, #tpu.memory_space<hbm>>
    %dma_start3A_5 = tpu.memref_squeeze %dma_start3A_4 : memref<1x40x128xi32, #tpu.memory_space<hbm>> -> memref<40x128xi32, #tpu.memory_space<hbm>>
    %dma_start3A_6 = arith.constant 0 : i32
    %dma_start3A_7 = arith.constant 0 : i32
    %dma_start3A_8 = tpu.memref_slice %arg3[%add3A, %dma_start3A_6, %dma_start3A_7] : memref<32x40x128xi32, #tpu.memory_space<hbm>> -> memref<1x40x128xi32, #tpu.memory_space<hbm>>
    %dma_start3A_9 = tpu.memref_squeeze %dma_start3A_8 : memref<1x40x128xi32, #tpu.memory_space<hbm>> -> memref<40x128xi32, #tpu.memory_space<hbm>>
    tpu.enqueue_dma source(%dma_start3A_9 : memref<40x128xi32, #tpu.memory_space<hbm>>) target(%arg8 : memref<40x128xi32, #tpu.memory_space<vmem>>) target_semaphore(%arg12 : memref<!tpu.dma_semaphore, #tpu.memory_space<semaphore_mem>>)
    %dma_start3A_10 = arith.constant 0 : i32
    %dma_start3A_11 = arith.constant 0 : i32
    %dma_start3A_12 = tpu.memref_slice %arg4[%add3A, %dma_start3A_10, %dma_start3A_11] : memref<32x80x64xi32, #tpu.memory_space<hbm>> -> memref<1x80x64xi32, #tpu.memory_space<hbm>>
    %dma_start3A_13 = tpu.memref_squeeze %dma_start3A_12 : memref<1x80x64xi32, #tpu.memory_space<hbm>> -> memref<80x64xi32, #tpu.memory_space<hbm>>
    %dma_start3A_14 = arith.constant 0 : i32
    %dma_start3A_15 = arith.constant 0 : i32
    %dma_start3A_16 = tpu.memref_slice %arg4[%add3A, %dma_start3A_14, %dma_start3A_15] : memref<32x80x64xi32, #tpu.memory_space<hbm>> -> memref<1x80x64xi32, #tpu.memory_space<hbm>>
    %dma_start3A_17 = tpu.memref_squeeze %dma_start3A_16 : memref<1x80x64xi32, #tpu.memory_space<hbm>> -> memref<80x64xi32, #tpu.memory_space<hbm>>
    tpu.enqueue_dma source(%dma_start3A_17 : memref<80x64xi32, #tpu.memory_space<hbm>>) target(%arg9 : memref<80x64xi32, #tpu.memory_space<vmem>>) target_semaphore(%arg12 : memref<!tpu.dma_semaphore, #tpu.memory_space<semaphore_mem>>)
    %eq3A = arith.constant 0 : i32
    %eq3A_18 = arith.cmpi eq, %arg0, %eq3A : i32
    %convert_element_type3A = arith.extui %eq3A_18 : i1 to i32
    %cond3A = arith.constant 0 : i32
    %cond3A_19 = arith.cmpi ne, %convert_element_type3A, %cond3A : i32
    scf.if %cond3A_19 {
      %lt3A_61 = arith.constant 15 : i32
      %lt3A_62 = arith.cmpi slt, %arg1, %lt3A_61 : i32
      %convert_element_type3A_63 = arith.extui %lt3A_62 : i1 to i32
      %cond3A_64 = arith.constant 0 : i32
      %cond3A_65 = arith.cmpi ne, %convert_element_type3A_63, %cond3A_64 : i32
      scf.if %cond3A_65 {
        "tpu.region"() ({
          %run_scoped3A = tpu.sem_alloc : memref<!tpu.dma_semaphore, #tpu.memory_space<semaphore_mem>>
          %dma_start3A_71 = arith.constant 0 : i32
          %dma_start3A_72 = tpu.memref_slice %arg11[%mul3A_2, %dma_start3A_71] : memref<10112x128xf32, #tpu.memory_space<vmem_shared>> -> memref<632x128xf32, #tpu.memory_space<vmem_shared>>
          %dma_start3A_73 = arith.constant 0 : i32
          %dma_start3A_74 = tpu.memref_slice %arg5[%mul3A_2, %dma_start3A_73] : memref<10000x128xf32, #tpu.memory_space<hbm>> -> memref<632x128xf32, #tpu.memory_space<hbm>>
          tpu.enqueue_dma source(%dma_start3A_74 : memref<632x128xf32, #tpu.memory_space<hbm>>) target(%dma_start3A_72 : memref<632x128xf32, #tpu.memory_space<vmem_shared>>) target_semaphore(%run_scoped3A : memref<!tpu.dma_semaphore, #tpu.memory_space<semaphore_mem>>)
          %dma_wait3A_75 = arith.constant 0 : i32
          %dma_wait3A_76 = tpu.memref_slice %arg11[%mul3A_2, %dma_wait3A_75] : memref<10112x128xf32, #tpu.memory_space<vmem_shared>> -> memref<632x128xf32, #tpu.memory_space<vmem_shared>>
          %dma_wait3A_77 = arith.constant 0 : i32
          %dma_wait3A_78 = tpu.memref_slice %arg5[%mul3A_2, %dma_wait3A_77] : memref<10000x128xf32, #tpu.memory_space<hbm>> -> memref<632x128xf32, #tpu.memory_space<hbm>>
          tpu.wait_dma2 semaphore(%run_scoped3A : memref<!tpu.dma_semaphore, #tpu.memory_space<semaphore_mem>>) src(%dma_wait3A_78 : memref<632x128xf32, #tpu.memory_space<hbm>>) dst(%dma_wait3A_76 : memref<632x128xf32, #tpu.memory_space<vmem_shared>>)
          tpu.yield
        }) : () -> ()
      } else {
      }
      %eq3A_66 = arith.constant 15 : i32
      %eq3A_67 = arith.cmpi eq, %arg1, %eq3A_66 : i32
      %convert_element_type3A_68 = arith.extui %eq3A_67 : i1 to i32
      %cond3A_69 = arith.constant 0 : i32
      %cond3A_70 = arith.cmpi ne, %convert_element_type3A_68, %cond3A_69 : i32
      scf.if %cond3A_70 {
        "tpu.region"() ({
          %run_scoped3A = tpu.sem_alloc : memref<!tpu.dma_semaphore, #tpu.memory_space<semaphore_mem>>
          %dma_start3A_75 = arith.constant 0 : i32
          %dma_start3A_76 = tpu.memref_slice %arg11[%mul3A_2, %dma_start3A_75] : memref<10112x128xf32, #tpu.memory_space<vmem_shared>> -> memref<520x128xf32, #tpu.memory_space<vmem_shared>>
          %dma_start3A_77 = arith.constant 0 : i32
          %dma_start3A_78 = tpu.memref_slice %arg5[%mul3A_2, %dma_start3A_77] : memref<10000x128xf32, #tpu.memory_space<hbm>> -> memref<520x128xf32, #tpu.memory_space<hbm>>
          tpu.enqueue_dma source(%dma_start3A_78 : memref<520x128xf32, #tpu.memory_space<hbm>>) target(%dma_start3A_76 : memref<520x128xf32, #tpu.memory_space<vmem_shared>>) target_semaphore(%run_scoped3A : memref<!tpu.dma_semaphore, #tpu.memory_space<semaphore_mem>>)
          %dma_wait3A_79 = arith.constant 0 : i32
          %dma_wait3A_80 = tpu.memref_slice %arg11[%mul3A_2, %dma_wait3A_79] : memref<10112x128xf32, #tpu.memory_space<vmem_shared>> -> memref<520x128xf32, #tpu.memory_space<vmem_shared>>
          %dma_wait3A_81 = arith.constant 0 : i32
          %dma_wait3A_82 = tpu.memref_slice %arg5[%mul3A_2, %dma_wait3A_81] : memref<10000x128xf32, #tpu.memory_space<hbm>> -> memref<520x128xf32, #tpu.memory_space<hbm>>
          tpu.wait_dma2 semaphore(%run_scoped3A : memref<!tpu.dma_semaphore, #tpu.memory_space<semaphore_mem>>) src(%dma_wait3A_82 : memref<520x128xf32, #tpu.memory_space<hbm>>) dst(%dma_wait3A_80 : memref<520x128xf32, #tpu.memory_space<vmem_shared>>)
          tpu.yield
        }) : () -> ()
        %add3A_71 = arith.constant 520 : i32
        %add3A_72 = arith.addi %mul3A_2, %add3A_71 : i32
        %add3A_73 = arith.constant 520 : i32
        %add3A_74 = arith.addi %mul3A_2, %add3A_73 : i32
        "tpu.region"() ({
          %run_scoped3A = tpu.sem_alloc : memref<!tpu.dma_semaphore, #tpu.memory_space<semaphore_mem>>
          %dma_start3A_75 = arith.constant 0 : i32
          %dma_start3A_76 = tpu.memref_slice %arg11[%add3A_74, %dma_start3A_75] : memref<10112x128xf32, #tpu.memory_space<vmem_shared>> -> memref<112x128xf32, #tpu.memory_space<vmem_shared>>
          %dma_start3A_77 = arith.constant 0 : i32
          %dma_start3A_78 = tpu.memref_slice %arg6[%add3A_72, %dma_start3A_77] : memref<10112x128xf32, #tpu.memory_space<hbm>> -> memref<112x128xf32, #tpu.memory_space<hbm>>
          tpu.enqueue_dma source(%dma_start3A_78 : memref<112x128xf32, #tpu.memory_space<hbm>>) target(%dma_start3A_76 : memref<112x128xf32, #tpu.memory_space<vmem_shared>>) target_semaphore(%run_scoped3A : memref<!tpu.dma_semaphore, #tpu.memory_space<semaphore_mem>>)
          %dma_wait3A_79 = arith.constant 0 : i32
          %dma_wait3A_80 = tpu.memref_slice %arg11[%add3A_74, %dma_wait3A_79] : memref<10112x128xf32, #tpu.memory_space<vmem_shared>> -> memref<112x128xf32, #tpu.memory_space<vmem_shared>>
          %dma_wait3A_81 = arith.constant 0 : i32
          %dma_wait3A_82 = tpu.memref_slice %arg6[%add3A_72, %dma_wait3A_81] : memref<10112x128xf32, #tpu.memory_space<hbm>> -> memref<112x128xf32, #tpu.memory_space<hbm>>
          tpu.wait_dma2 semaphore(%run_scoped3A : memref<!tpu.dma_semaphore, #tpu.memory_space<semaphore_mem>>) src(%dma_wait3A_82 : memref<112x128xf32, #tpu.memory_space<hbm>>) dst(%dma_wait3A_80 : memref<112x128xf32, #tpu.memory_space<vmem_shared>>)
          tpu.yield
        }) : () -> ()
      } else {
      }
    } else {
    }
    %eq3A_20 = arith.constant 1 : i32
    %eq3A_21 = arith.cmpi eq, %arg0, %eq3A_20 : i32
    %convert_element_type3A_22 = arith.extui %eq3A_21 : i1 to i32
    %cond3A_23 = arith.constant 0 : i32
    %cond3A_24 = arith.cmpi ne, %convert_element_type3A_22, %cond3A_23 : i32
    scf.if %cond3A_24 {
      "tpu.region"() ({
        %run_scoped3A = tpu.sem_alloc : memref<!tpu.dma_semaphore, #tpu.memory_space<semaphore_mem>>
        %dma_start3A_61 = arith.constant 0 : i32
        %dma_start3A_62 = tpu.memref_slice %arg11[%mul3A_2, %dma_start3A_61] : memref<10112x128xf32, #tpu.memory_space<vmem_shared>> -> memref<632x128xf32, #tpu.memory_space<vmem_shared>>
        %dma_start3A_63 = arith.constant 0 : i32
        %dma_start3A_64 = tpu.memref_slice %arg6[%mul3A_2, %dma_start3A_63] : memref<10112x128xf32, #tpu.memory_space<hbm>> -> memref<632x128xf32, #tpu.memory_space<hbm>>
        tpu.enqueue_dma source(%dma_start3A_64 : memref<632x128xf32, #tpu.memory_space<hbm>>) target(%dma_start3A_62 : memref<632x128xf32, #tpu.memory_space<vmem_shared>>) target_semaphore(%run_scoped3A : memref<!tpu.dma_semaphore, #tpu.memory_space<semaphore_mem>>)
        %dma_wait3A_65 = arith.constant 0 : i32
        %dma_wait3A_66 = tpu.memref_slice %arg11[%mul3A_2, %dma_wait3A_65] : memref<10112x128xf32, #tpu.memory_space<vmem_shared>> -> memref<632x128xf32, #tpu.memory_space<vmem_shared>>
        %dma_wait3A_67 = arith.constant 0 : i32
        %dma_wait3A_68 = tpu.memref_slice %arg6[%mul3A_2, %dma_wait3A_67] : memref<10112x128xf32, #tpu.memory_space<hbm>> -> memref<632x128xf32, #tpu.memory_space<hbm>>
        tpu.wait_dma2 semaphore(%run_scoped3A : memref<!tpu.dma_semaphore, #tpu.memory_space<semaphore_mem>>) src(%dma_wait3A_68 : memref<632x128xf32, #tpu.memory_space<hbm>>) dst(%dma_wait3A_66 : memref<632x128xf32, #tpu.memory_space<vmem_shared>>)
        tpu.yield
      }) : () -> ()
    } else {
    }
    %barrier3A = arith.constant 0 : index
    tpu.barrier barrier_id(%barrier3A)
    %dma_wait3A = arith.constant 0 : i32
    %dma_wait3A_25 = arith.constant 0 : i32
    %dma_wait3A_26 = tpu.memref_slice %arg3[%add3A, %dma_wait3A, %dma_wait3A_25] : memref<32x40x128xi32, #tpu.memory_space<hbm>> -> memref<1x40x128xi32, #tpu.memory_space<hbm>>
    %dma_wait3A_27 = tpu.memref_squeeze %dma_wait3A_26 : memref<1x40x128xi32, #tpu.memory_space<hbm>> -> memref<40x128xi32, #tpu.memory_space<hbm>>
    %dma_wait3A_28 = arith.constant 0 : i32
    %dma_wait3A_29 = arith.constant 0 : i32
    %dma_wait3A_30 = tpu.memref_slice %arg3[%add3A, %dma_wait3A_28, %dma_wait3A_29] : memref<32x40x128xi32, #tpu.memory_space<hbm>> -> memref<1x40x128xi32, #tpu.memory_space<hbm>>
    %dma_wait3A_31 = tpu.memref_squeeze %dma_wait3A_30 : memref<1x40x128xi32, #tpu.memory_space<hbm>> -> memref<40x128xi32, #tpu.memory_space<hbm>>
    tpu.wait_dma2 semaphore(%arg12 : memref<!tpu.dma_semaphore, #tpu.memory_space<semaphore_mem>>) src(%dma_wait3A_31 : memref<40x128xi32, #tpu.memory_space<hbm>>) dst(%arg8 : memref<40x128xi32, #tpu.memory_space<vmem>>)
    %dma_wait3A_32 = arith.constant 0 : i32
    %dma_wait3A_33 = arith.constant 0 : i32
    %dma_wait3A_34 = tpu.memref_slice %arg4[%add3A, %dma_wait3A_32, %dma_wait3A_33] : memref<32x80x64xi32, #tpu.memory_space<hbm>> -> memref<1x80x64xi32, #tpu.memory_space<hbm>>
    %dma_wait3A_35 = tpu.memref_squeeze %dma_wait3A_34 : memref<1x80x64xi32, #tpu.memory_space<hbm>> -> memref<80x64xi32, #tpu.memory_space<hbm>>
    %dma_wait3A_36 = arith.constant 0 : i32
    %dma_wait3A_37 = arith.constant 0 : i32
    %dma_wait3A_38 = tpu.memref_slice %arg4[%add3A, %dma_wait3A_36, %dma_wait3A_37] : memref<32x80x64xi32, #tpu.memory_space<hbm>> -> memref<1x80x64xi32, #tpu.memory_space<hbm>>
    %dma_wait3A_39 = tpu.memref_squeeze %dma_wait3A_38 : memref<1x80x64xi32, #tpu.memory_space<hbm>> -> memref<80x64xi32, #tpu.memory_space<hbm>>
    tpu.wait_dma2 semaphore(%arg12 : memref<!tpu.dma_semaphore, #tpu.memory_space<semaphore_mem>>) src(%dma_wait3A_39 : memref<80x64xi32, #tpu.memory_space<hbm>>) dst(%arg9 : memref<80x64xi32, #tpu.memory_space<vmem>>)
    %eq3A_40 = arith.constant 1 : i32
    %eq3A_41 = arith.cmpi eq, %arg0, %eq3A_40 : i32
    %convert_element_type3A_42 = arith.extui %eq3A_41 : i1 to i32
    %cond3A_43 = arith.constant 0 : i32
    %cond3A_44 = arith.cmpi ne, %convert_element_type3A_42, %cond3A_43 : i32
    scf.if %cond3A_44 {
      %dma_start3A_61 = arith.constant 0 : i32
      %dma_start3A_62 = arith.constant 0 : i32
      %dma_start3A_63 = arith.constant 0 : i32
      %dma_start3A_64 = arith.constant 0 : i32
      %dma_start3A_65 = tpu.memref_slice %arg10[%dma_start3A_62, %dma_start3A_63, %dma_start3A_64] : memref<4x64x128xf32, #tpu.memory_space<vmem>> -> memref<1x64x128xf32, #tpu.memory_space<vmem>>
      %dma_start3A_66 = tpu.memref_squeeze %dma_start3A_65 : memref<1x64x128xf32, #tpu.memory_space<vmem>> -> memref<64x128xf32, #tpu.memory_space<vmem>>
      %dma_start3A_67 = arith.constant 0 : i32
      %dma_start3A_68 = tpu.memref_slice %arg8[%dma_start3A_61, %dma_start3A_67] : memref<40x128xi32, #tpu.memory_space<vmem>> -> memref<1x64xi32, #tpu.memory_space<vmem>>
      %dma_start3A_69 = tpu.memref_squeeze %dma_start3A_68 : memref<1x64xi32, #tpu.memory_space<vmem>> -> memref<64xi32, #tpu.memory_space<vmem>>
      %dma_start3A_70 = arith.constant 0 : i32
      %dma_start3A_71 = arith.constant 0 : i32
      %dma_start3A_72 = tpu.memref_slice %arg2[%dma_start3A_70, %dma_start3A_71] : memref<80000x128xf32, #tpu.memory_space<hbm>> -> memref<80000x128xf32, #tpu.memory_space<hbm>>
      tpu.enqueue_indirect_dma source(%dma_start3A_72 : memref<80000x128xf32, #tpu.memory_space<hbm>>) target(%dma_start3A_66 : memref<64x128xf32, #tpu.memory_space<vmem>>) offsets(%dma_start3A_69 : memref<64xi32, #tpu.memory_space<vmem>>) semaphore(%arg13 : memref<!tpu.dma_semaphore, #tpu.memory_space<semaphore_mem>>)
      %dma_start3A_73 = arith.constant 0 : i32
      %dma_start3A_74 = arith.constant 1 : i32
      %dma_start3A_75 = arith.constant 0 : i32
      %dma_start3A_76 = arith.constant 0 : i32
      %dma_start3A_77 = tpu.memref_slice %arg10[%dma_start3A_74, %dma_start3A_75, %dma_start3A_76] : memref<4x64x128xf32, #tpu.memory_space<vmem>> -> memref<1x64x128xf32, #tpu.memory_space<vmem>>
      %dma_start3A_78 = tpu.memref_squeeze %dma_start3A_77 : memref<1x64x128xf32, #tpu.memory_space<vmem>> -> memref<64x128xf32, #tpu.memory_space<vmem>>
      %dma_start3A_79 = arith.constant 64 : i32
      %dma_start3A_80 = tpu.memref_slice %arg8[%dma_start3A_73, %dma_start3A_79] : memref<40x128xi32, #tpu.memory_space<vmem>> -> memref<1x64xi32, #tpu.memory_space<vmem>>
      %dma_start3A_81 = tpu.memref_squeeze %dma_start3A_80 : memref<1x64xi32, #tpu.memory_space<vmem>> -> memref<64xi32, #tpu.memory_space<vmem>>
      %dma_start3A_82 = arith.constant 0 : i32
      %dma_start3A_83 = arith.constant 0 : i32
      %dma_start3A_84 = tpu.memref_slice %arg2[%dma_start3A_82, %dma_start3A_83] : memref<80000x128xf32, #tpu.memory_space<hbm>> -> memref<80000x128xf32, #tpu.memory_space<hbm>>
      tpu.enqueue_indirect_dma source(%dma_start3A_84 : memref<80000x128xf32, #tpu.memory_space<hbm>>) target(%dma_start3A_78 : memref<64x128xf32, #tpu.memory_space<vmem>>) offsets(%dma_start3A_81 : memref<64xi32, #tpu.memory_space<vmem>>) semaphore(%arg14 : memref<!tpu.dma_semaphore, #tpu.memory_space<semaphore_mem>>)
    } else {
    }
    %eq3A_45 = arith.constant 1 : i32
    %eq3A_46 = arith.cmpi eq, %arg0, %eq3A_45 : i32
    %convert_element_type3A_47 = arith.extui %eq3A_46 : i1 to i32
    %cond3A_48 = arith.constant 0 : i32
    %cond3A_49 = arith.cmpi ne, %convert_element_type3A_47, %cond3A_48 : i32
    scf.if %cond3A_49 {
      %scan3A = arith.constant 0 : i32
      %scan3A_61 = arith.constant 0 : i32
      %scan3A_62 = arith.constant 20 : i32
      %scan3A_63 = arith.addi %scan3A_61, %scan3A_62 : i32
      %scan3A_64 = arith.constant 1 : i32
      scf.for %scan3A_66 = %scan3A_61 to %scan3A_63 step %scan3A_64  : i32 {
        %mul3A_67 = arith.constant 4 : i32
        %mul3A_68 = arith.muli %scan3A_66, %mul3A_67 : i32
        %add3A_69 = arith.constant 0 : i32
        %add3A_70 = arith.addi %mul3A_68, %add3A_69 : i32
        %jit3A = arith.constant 2 : i32
        %div3A = arith.divsi %add3A_70, %jit3A : i32
        %sign3A = arith.constant 0 : i32
        %sign3A_71 = arith.cmpi sgt, %add3A_70, %sign3A : i32
        %sign3A_72 = arith.extui %sign3A_71 : i1 to i32
        %sign3A_73 = arith.constant 0 : i32
        %sign3A_74 = arith.cmpi slt, %add3A_70, %sign3A_73 : i32
        %sign3A_75 = arith.extui %sign3A_74 : i1 to i32
        %sign3A_76 = arith.subi %sign3A_72, %sign3A_75 : i32
        %sign3A_77 = arith.constant 0 : i32
        %sign3A_78 = arith.cmpi sgt, %jit3A, %sign3A_77 : i32
        %sign3A_79 = arith.extui %sign3A_78 : i1 to i32
        %sign3A_80 = arith.constant 0 : i32
        %sign3A_81 = arith.cmpi slt, %jit3A, %sign3A_80 : i32
        %sign3A_82 = arith.extui %sign3A_81 : i1 to i32
        %sign3A_83 = arith.subi %sign3A_79, %sign3A_82 : i32
        %ne3A = arith.cmpi ne, %sign3A_76, %sign3A_83 : i32
        %rem3A = arith.remsi %add3A_70, %jit3A : i32
        %ne3A_84 = arith.constant 0 : i32
        %ne3A_85 = arith.cmpi ne, %rem3A, %ne3A_84 : i32
        %and3A = arith.andi %ne3A, %ne3A_85 : i1
        %sub3A = arith.constant 1 : i32
        %sub3A_86 = arith.subi %div3A, %sub3A : i32
        %select_n3A = arith.select %and3A, %sub3A_86, %div3A : i32
        %jit3A_87 = arith.constant 2 : i32
        %eq3A_88 = arith.constant 0 : i32
        %eq3A_89 = arith.cmpi eq, %jit3A_87, %eq3A_88 : i32
        %jit3A_90 = arith.constant 1 : i32
        %select_n3A_91 = arith.select %eq3A_89, %jit3A_90, %jit3A_87 : i32
        %rem3A_92 = arith.remsi %add3A_70, %select_n3A_91 : i32
        %ne3A_93 = arith.constant 0 : i32
        %ne3A_94 = arith.cmpi ne, %rem3A_92, %ne3A_93 : i32
        %lt3A_95 = arith.constant 0 : i32
        %lt3A_96 = arith.cmpi slt, %rem3A_92, %lt3A_95 : i32
        %lt3A_97 = arith.constant 0 : i32
        %lt3A_98 = arith.cmpi slt, %select_n3A_91, %lt3A_97 : i32
        %ne3A_99 = arith.xori %lt3A_96, %lt3A_98 : i1
        %and3A_100 = arith.andi %ne3A_99, %ne3A_94 : i1
        %add3A_101 = arith.addi %rem3A_92, %select_n3A_91 : i32
        %select_n3A_102 = arith.select %and3A_100, %add3A_101, %rem3A_92 : i32
        %mul3A_103 = arith.constant 64 : i32
        %mul3A_104 = arith.muli %select_n3A_102, %mul3A_103 : i32
        %dma_wait3A_105 = arith.constant 0 : i32
        %dma_wait3A_106 = arith.constant 0 : i32
        %dma_wait3A_107 = arith.constant 0 : i32
        %dma_wait3A_108 = tpu.memref_slice %arg10[%dma_wait3A_105, %dma_wait3A_106, %dma_wait3A_107] : memref<4x64x128xf32, #tpu.memory_space<vmem>> -> memref<1x64x128xf32, #tpu.memory_space<vmem>>
        %dma_wait3A_109 = tpu.memref_squeeze %dma_wait3A_108 : memref<1x64x128xf32, #tpu.memory_space<vmem>> -> memref<64x128xf32, #tpu.memory_space<vmem>>
        %dma_wait3A_110 = tpu.memref_slice %arg8[%select_n3A, %mul3A_104] : memref<40x128xi32, #tpu.memory_space<vmem>> -> memref<1x64xi32, #tpu.memory_space<vmem>>
        %dma_wait3A_111 = tpu.memref_squeeze %dma_wait3A_110 : memref<1x64xi32, #tpu.memory_space<vmem>> -> memref<64xi32, #tpu.memory_space<vmem>>
        %dma_wait3A_112 = arith.constant 0 : i32
        %dma_wait3A_113 = arith.constant 0 : i32
        %dma_wait3A_114 = tpu.memref_slice %arg2[%dma_wait3A_112, %dma_wait3A_113] : memref<80000x128xf32, #tpu.memory_space<hbm>> -> memref<80000x128xf32, #tpu.memory_space<hbm>>
        tpu.wait_indirect_dma semaphore(%arg13 : memref<!tpu.dma_semaphore, #tpu.memory_space<semaphore_mem>>) src(%dma_wait3A_114 : memref<80000x128xf32, #tpu.memory_space<hbm>>) dst(%dma_wait3A_109 : memref<64x128xf32, #tpu.memory_space<vmem>>)
        %add3A_115 = arith.constant 2 : i32
        %add3A_116 = arith.addi %add3A_70, %add3A_115 : i32
        %lt3A_117 = arith.constant 80 : i32
        %lt3A_118 = arith.cmpi slt, %add3A_116, %lt3A_117 : i32
        %convert_element_type3A_119 = arith.extui %lt3A_118 : i1 to i32
        %cond3A_120 = arith.constant 0 : i32
        %cond3A_121 = arith.cmpi ne, %convert_element_type3A_119, %cond3A_120 : i32
        scf.if %cond3A_121 {
          %jit3A_311 = arith.constant 2 : i32
          %div3A_312 = arith.divsi %add3A_116, %jit3A_311 : i32
          %sign3A_313 = arith.constant 0 : i32
          %sign3A_314 = arith.cmpi sgt, %add3A_116, %sign3A_313 : i32
          %sign3A_315 = arith.extui %sign3A_314 : i1 to i32
          %sign3A_316 = arith.constant 0 : i32
          %sign3A_317 = arith.cmpi slt, %add3A_116, %sign3A_316 : i32
          %sign3A_318 = arith.extui %sign3A_317 : i1 to i32
          %sign3A_319 = arith.subi %sign3A_315, %sign3A_318 : i32
          %sign3A_320 = arith.constant 0 : i32
          %sign3A_321 = arith.cmpi sgt, %jit3A_311, %sign3A_320 : i32
          %sign3A_322 = arith.extui %sign3A_321 : i1 to i32
          %sign3A_323 = arith.constant 0 : i32
          %sign3A_324 = arith.cmpi slt, %jit3A_311, %sign3A_323 : i32
          %sign3A_325 = arith.extui %sign3A_324 : i1 to i32
          %sign3A_326 = arith.subi %sign3A_322, %sign3A_325 : i32
          %ne3A_327 = arith.cmpi ne, %sign3A_319, %sign3A_326 : i32
          %rem3A_328 = arith.remsi %add3A_116, %jit3A_311 : i32
          %ne3A_329 = arith.constant 0 : i32
          %ne3A_330 = arith.cmpi ne, %rem3A_328, %ne3A_329 : i32
          %and3A_331 = arith.andi %ne3A_327, %ne3A_330 : i1
          %sub3A_332 = arith.constant 1 : i32
          %sub3A_333 = arith.subi %div3A_312, %sub3A_332 : i32
          %select_n3A_334 = arith.select %and3A_331, %sub3A_333, %div3A_312 : i32
          %jit3A_335 = arith.constant 2 : i32
          %eq3A_336 = arith.constant 0 : i32
          %eq3A_337 = arith.cmpi eq, %jit3A_335, %eq3A_336 : i32
          %jit3A_338 = arith.constant 1 : i32
          %select_n3A_339 = arith.select %eq3A_337, %jit3A_338, %jit3A_335 : i32
          %rem3A_340 = arith.remsi %add3A_116, %select_n3A_339 : i32
          %ne3A_341 = arith.constant 0 : i32
          %ne3A_342 = arith.cmpi ne, %rem3A_340, %ne3A_341 : i32
          %lt3A_343 = arith.constant 0 : i32
          %lt3A_344 = arith.cmpi slt, %rem3A_340, %lt3A_343 : i32
          %lt3A_345 = arith.constant 0 : i32
          %lt3A_346 = arith.cmpi slt, %select_n3A_339, %lt3A_345 : i32
          %ne3A_347 = arith.xori %lt3A_344, %lt3A_346 : i1
          %and3A_348 = arith.andi %ne3A_347, %ne3A_342 : i1
          %add3A_349 = arith.addi %rem3A_340, %select_n3A_339 : i32
          %select_n3A_350 = arith.select %and3A_348, %add3A_349, %rem3A_340 : i32
          %mul3A_351 = arith.constant 64 : i32
          %mul3A_352 = arith.muli %select_n3A_350, %mul3A_351 : i32
          %dma_start3A_353 = arith.constant 2 : i32
          %dma_start3A_354 = arith.constant 0 : i32
          %dma_start3A_355 = arith.constant 0 : i32
          %dma_start3A_356 = tpu.memref_slice %arg10[%dma_start3A_353, %dma_start3A_354, %dma_start3A_355] : memref<4x64x128xf32, #tpu.memory_space<vmem>> -> memref<1x64x128xf32, #tpu.memory_space<vmem>>
          %dma_start3A_357 = tpu.memref_squeeze %dma_start3A_356 : memref<1x64x128xf32, #tpu.memory_space<vmem>> -> memref<64x128xf32, #tpu.memory_space<vmem>>
          %dma_start3A_358 = tpu.memref_slice %arg8[%select_n3A_334, %mul3A_352] : memref<40x128xi32, #tpu.memory_space<vmem>> -> memref<1x64xi32, #tpu.memory_space<vmem>>
          %dma_start3A_359 = tpu.memref_squeeze %dma_start3A_358 : memref<1x64xi32, #tpu.memory_space<vmem>> -> memref<64xi32, #tpu.memory_space<vmem>>
          %dma_start3A_360 = arith.constant 0 : i32
          %dma_start3A_361 = arith.constant 0 : i32
          %dma_start3A_362 = tpu.memref_slice %arg2[%dma_start3A_360, %dma_start3A_361] : memref<80000x128xf32, #tpu.memory_space<hbm>> -> memref<80000x128xf32, #tpu.memory_space<hbm>>
          tpu.enqueue_indirect_dma source(%dma_start3A_362 : memref<80000x128xf32, #tpu.memory_space<hbm>>) target(%dma_start3A_357 : memref<64x128xf32, #tpu.memory_space<vmem>>) offsets(%dma_start3A_359 : memref<64xi32, #tpu.memory_space<vmem>>) semaphore(%arg15 : memref<!tpu.dma_semaphore, #tpu.memory_space<semaphore_mem>>)
        } else {
        }
        %mul3A_122 = arith.constant 4 : i32
        %mul3A_123 = arith.muli %scan3A_66, %mul3A_122 : i32
        %add3A_124 = arith.constant 1 : i32
        %add3A_125 = arith.addi %mul3A_123, %add3A_124 : i32
        %jit3A_126 = arith.constant 2 : i32
        %div3A_127 = arith.divsi %add3A_125, %jit3A_126 : i32
        %sign3A_128 = arith.constant 0 : i32
        %sign3A_129 = arith.cmpi sgt, %add3A_125, %sign3A_128 : i32
        %sign3A_130 = arith.extui %sign3A_129 : i1 to i32
        %sign3A_131 = arith.constant 0 : i32
        %sign3A_132 = arith.cmpi slt, %add3A_125, %sign3A_131 : i32
        %sign3A_133 = arith.extui %sign3A_132 : i1 to i32
        %sign3A_134 = arith.subi %sign3A_130, %sign3A_133 : i32
        %sign3A_135 = arith.constant 0 : i32
        %sign3A_136 = arith.cmpi sgt, %jit3A_126, %sign3A_135 : i32
        %sign3A_137 = arith.extui %sign3A_136 : i1 to i32
        %sign3A_138 = arith.constant 0 : i32
        %sign3A_139 = arith.cmpi slt, %jit3A_126, %sign3A_138 : i32
        %sign3A_140 = arith.extui %sign3A_139 : i1 to i32
        %sign3A_141 = arith.subi %sign3A_137, %sign3A_140 : i32
        %ne3A_142 = arith.cmpi ne, %sign3A_134, %sign3A_141 : i32
        %rem3A_143 = arith.remsi %add3A_125, %jit3A_126 : i32
        %ne3A_144 = arith.constant 0 : i32
        %ne3A_145 = arith.cmpi ne, %rem3A_143, %ne3A_144 : i32
        %and3A_146 = arith.andi %ne3A_142, %ne3A_145 : i1
        %sub3A_147 = arith.constant 1 : i32
        %sub3A_148 = arith.subi %div3A_127, %sub3A_147 : i32
        %select_n3A_149 = arith.select %and3A_146, %sub3A_148, %div3A_127 : i32
        %jit3A_150 = arith.constant 2 : i32
        %eq3A_151 = arith.constant 0 : i32
        %eq3A_152 = arith.cmpi eq, %jit3A_150, %eq3A_151 : i32
        %jit3A_153 = arith.constant 1 : i32
        %select_n3A_154 = arith.select %eq3A_152, %jit3A_153, %jit3A_150 : i32
        %rem3A_155 = arith.remsi %add3A_125, %select_n3A_154 : i32
        %ne3A_156 = arith.constant 0 : i32
        %ne3A_157 = arith.cmpi ne, %rem3A_155, %ne3A_156 : i32
        %lt3A_158 = arith.constant 0 : i32
        %lt3A_159 = arith.cmpi slt, %rem3A_155, %lt3A_158 : i32
        %lt3A_160 = arith.constant 0 : i32
        %lt3A_161 = arith.cmpi slt, %select_n3A_154, %lt3A_160 : i32
        %ne3A_162 = arith.xori %lt3A_159, %lt3A_161 : i1
        %and3A_163 = arith.andi %ne3A_162, %ne3A_157 : i1
        %add3A_164 = arith.addi %rem3A_155, %select_n3A_154 : i32
        %select_n3A_165 = arith.select %and3A_163, %add3A_164, %rem3A_155 : i32
        %mul3A_166 = arith.constant 64 : i32
        %mul3A_167 = arith.muli %select_n3A_165, %mul3A_166 : i32
        %dma_wait3A_168 = arith.constant 1 : i32
        %dma_wait3A_169 = arith.constant 0 : i32
        %dma_wait3A_170 = arith.constant 0 : i32
        %dma_wait3A_171 = tpu.memref_slice %arg10[%dma_wait3A_168, %dma_wait3A_169, %dma_wait3A_170] : memref<4x64x128xf32, #tpu.memory_space<vmem>> -> memref<1x64x128xf32, #tpu.memory_space<vmem>>
        %dma_wait3A_172 = tpu.memref_squeeze %dma_wait3A_171 : memref<1x64x128xf32, #tpu.memory_space<vmem>> -> memref<64x128xf32, #tpu.memory_space<vmem>>
        %dma_wait3A_173 = tpu.memref_slice %arg8[%select_n3A_149, %mul3A_167] : memref<40x128xi32, #tpu.memory_space<vmem>> -> memref<1x64xi32, #tpu.memory_space<vmem>>
        %dma_wait3A_174 = tpu.memref_squeeze %dma_wait3A_173 : memref<1x64xi32, #tpu.memory_space<vmem>> -> memref<64xi32, #tpu.memory_space<vmem>>
        %dma_wait3A_175 = arith.constant 0 : i32
        %dma_wait3A_176 = arith.constant 0 : i32
        %dma_wait3A_177 = tpu.memref_slice %arg2[%dma_wait3A_175, %dma_wait3A_176] : memref<80000x128xf32, #tpu.memory_space<hbm>> -> memref<80000x128xf32, #tpu.memory_space<hbm>>
        tpu.wait_indirect_dma semaphore(%arg14 : memref<!tpu.dma_semaphore, #tpu.memory_space<semaphore_mem>>) src(%dma_wait3A_177 : memref<80000x128xf32, #tpu.memory_space<hbm>>) dst(%dma_wait3A_172 : memref<64x128xf32, #tpu.memory_space<vmem>>)
        %add3A_178 = arith.constant 2 : i32
        %add3A_179 = arith.addi %add3A_125, %add3A_178 : i32
        %lt3A_180 = arith.constant 80 : i32
        %lt3A_181 = arith.cmpi slt, %add3A_179, %lt3A_180 : i32
        %convert_element_type3A_182 = arith.extui %lt3A_181 : i1 to i32
        %cond3A_183 = arith.constant 0 : i32
        %cond3A_184 = arith.cmpi ne, %convert_element_type3A_182, %cond3A_183 : i32
        scf.if %cond3A_184 {
          %jit3A_311 = arith.constant 2 : i32
          %div3A_312 = arith.divsi %add3A_179, %jit3A_311 : i32
          %sign3A_313 = arith.constant 0 : i32
          %sign3A_314 = arith.cmpi sgt, %add3A_179, %sign3A_313 : i32
          %sign3A_315 = arith.extui %sign3A_314 : i1 to i32
          %sign3A_316 = arith.constant 0 : i32
          %sign3A_317 = arith.cmpi slt, %add3A_179, %sign3A_316 : i32
          %sign3A_318 = arith.extui %sign3A_317 : i1 to i32
          %sign3A_319 = arith.subi %sign3A_315, %sign3A_318 : i32
          %sign3A_320 = arith.constant 0 : i32
          %sign3A_321 = arith.cmpi sgt, %jit3A_311, %sign3A_320 : i32
          %sign3A_322 = arith.extui %sign3A_321 : i1 to i32
          %sign3A_323 = arith.constant 0 : i32
          %sign3A_324 = arith.cmpi slt, %jit3A_311, %sign3A_323 : i32
          %sign3A_325 = arith.extui %sign3A_324 : i1 to i32
          %sign3A_326 = arith.subi %sign3A_322, %sign3A_325 : i32
          %ne3A_327 = arith.cmpi ne, %sign3A_319, %sign3A_326 : i32
          %rem3A_328 = arith.remsi %add3A_179, %jit3A_311 : i32
          %ne3A_329 = arith.constant 0 : i32
          %ne3A_330 = arith.cmpi ne, %rem3A_328, %ne3A_329 : i32
          %and3A_331 = arith.andi %ne3A_327, %ne3A_330 : i1
          %sub3A_332 = arith.constant 1 : i32
          %sub3A_333 = arith.subi %div3A_312, %sub3A_332 : i32
          %select_n3A_334 = arith.select %and3A_331, %sub3A_333, %div3A_312 : i32
          %jit3A_335 = arith.constant 2 : i32
          %eq3A_336 = arith.constant 0 : i32
          %eq3A_337 = arith.cmpi eq, %jit3A_335, %eq3A_336 : i32
          %jit3A_338 = arith.constant 1 : i32
          %select_n3A_339 = arith.select %eq3A_337, %jit3A_338, %jit3A_335 : i32
          %rem3A_340 = arith.remsi %add3A_179, %select_n3A_339 : i32
          %ne3A_341 = arith.constant 0 : i32
          %ne3A_342 = arith.cmpi ne, %rem3A_340, %ne3A_341 : i32
          %lt3A_343 = arith.constant 0 : i32
          %lt3A_344 = arith.cmpi slt, %rem3A_340, %lt3A_343 : i32
          %lt3A_345 = arith.constant 0 : i32
          %lt3A_346 = arith.cmpi slt, %select_n3A_339, %lt3A_345 : i32
          %ne3A_347 = arith.xori %lt3A_344, %lt3A_346 : i1
          %and3A_348 = arith.andi %ne3A_347, %ne3A_342 : i1
          %add3A_349 = arith.addi %rem3A_340, %select_n3A_339 : i32
          %select_n3A_350 = arith.select %and3A_348, %add3A_349, %rem3A_340 : i32
          %mul3A_351 = arith.constant 64 : i32
          %mul3A_352 = arith.muli %select_n3A_350, %mul3A_351 : i32
          %dma_start3A_353 = arith.constant 3 : i32
          %dma_start3A_354 = arith.constant 0 : i32
          %dma_start3A_355 = arith.constant 0 : i32
          %dma_start3A_356 = tpu.memref_slice %arg10[%dma_start3A_353, %dma_start3A_354, %dma_start3A_355] : memref<4x64x128xf32, #tpu.memory_space<vmem>> -> memref<1x64x128xf32, #tpu.memory_space<vmem>>
          %dma_start3A_357 = tpu.memref_squeeze %dma_start3A_356 : memref<1x64x128xf32, #tpu.memory_space<vmem>> -> memref<64x128xf32, #tpu.memory_space<vmem>>
          %dma_start3A_358 = tpu.memref_slice %arg8[%select_n3A_334, %mul3A_352] : memref<40x128xi32, #tpu.memory_space<vmem>> -> memref<1x64xi32, #tpu.memory_space<vmem>>
          %dma_start3A_359 = tpu.memref_squeeze %dma_start3A_358 : memref<1x64xi32, #tpu.memory_space<vmem>> -> memref<64xi32, #tpu.memory_space<vmem>>
          %dma_start3A_360 = arith.constant 0 : i32
          %dma_start3A_361 = arith.constant 0 : i32
          %dma_start3A_362 = tpu.memref_slice %arg2[%dma_start3A_360, %dma_start3A_361] : memref<80000x128xf32, #tpu.memory_space<hbm>> -> memref<80000x128xf32, #tpu.memory_space<hbm>>
          tpu.enqueue_indirect_dma source(%dma_start3A_362 : memref<80000x128xf32, #tpu.memory_space<hbm>>) target(%dma_start3A_357 : memref<64x128xf32, #tpu.memory_space<vmem>>) offsets(%dma_start3A_359 : memref<64xi32, #tpu.memory_space<vmem>>) semaphore(%arg16 : memref<!tpu.dma_semaphore, #tpu.memory_space<semaphore_mem>>)
        } else {
        }
        %mul3A_185 = arith.constant 4 : i32
        %mul3A_186 = arith.muli %scan3A_66, %mul3A_185 : i32
        %add3A_187 = arith.constant 2 : i32
        %add3A_188 = arith.addi %mul3A_186, %add3A_187 : i32
        %jit3A_189 = arith.constant 2 : i32
        %div3A_190 = arith.divsi %add3A_188, %jit3A_189 : i32
        %sign3A_191 = arith.constant 0 : i32
        %sign3A_192 = arith.cmpi sgt, %add3A_188, %sign3A_191 : i32
        %sign3A_193 = arith.extui %sign3A_192 : i1 to i32
        %sign3A_194 = arith.constant 0 : i32
        %sign3A_195 = arith.cmpi slt, %add3A_188, %sign3A_194 : i32
        %sign3A_196 = arith.extui %sign3A_195 : i1 to i32
        %sign3A_197 = arith.subi %sign3A_193, %sign3A_196 : i32
        %sign3A_198 = arith.constant 0 : i32
        %sign3A_199 = arith.cmpi sgt, %jit3A_189, %sign3A_198 : i32
        %sign3A_200 = arith.extui %sign3A_199 : i1 to i32
        %sign3A_201 = arith.constant 0 : i32
        %sign3A_202 = arith.cmpi slt, %jit3A_189, %sign3A_201 : i32
        %sign3A_203 = arith.extui %sign3A_202 : i1 to i32
        %sign3A_204 = arith.subi %sign3A_200, %sign3A_203 : i32
        %ne3A_205 = arith.cmpi ne, %sign3A_197, %sign3A_204 : i32
        %rem3A_206 = arith.remsi %add3A_188, %jit3A_189 : i32
        %ne3A_207 = arith.constant 0 : i32
        %ne3A_208 = arith.cmpi ne, %rem3A_206, %ne3A_207 : i32
        %and3A_209 = arith.andi %ne3A_205, %ne3A_208 : i1
        %sub3A_210 = arith.constant 1 : i32
        %sub3A_211 = arith.subi %div3A_190, %sub3A_210 : i32
        %select_n3A_212 = arith.select %and3A_209, %sub3A_211, %div3A_190 : i32
        %jit3A_213 = arith.constant 2 : i32
        %eq3A_214 = arith.constant 0 : i32
        %eq3A_215 = arith.cmpi eq, %jit3A_213, %eq3A_214 : i32
        %jit3A_216 = arith.constant 1 : i32
        %select_n3A_217 = arith.select %eq3A_215, %jit3A_216, %jit3A_213 : i32
        %rem3A_218 = arith.remsi %add3A_188, %select_n3A_217 : i32
        %ne3A_219 = arith.constant 0 : i32
        %ne3A_220 = arith.cmpi ne, %rem3A_218, %ne3A_219 : i32
        %lt3A_221 = arith.constant 0 : i32
        %lt3A_222 = arith.cmpi slt, %rem3A_218, %lt3A_221 : i32
        %lt3A_223 = arith.constant 0 : i32
        %lt3A_224 = arith.cmpi slt, %select_n3A_217, %lt3A_223 : i32
        %ne3A_225 = arith.xori %lt3A_222, %lt3A_224 : i1
        %and3A_226 = arith.andi %ne3A_225, %ne3A_220 : i1
        %add3A_227 = arith.addi %rem3A_218, %select_n3A_217 : i32
        %select_n3A_228 = arith.select %and3A_226, %add3A_227, %rem3A_218 : i32
        %mul3A_229 = arith.constant 64 : i32
        %mul3A_230 = arith.muli %select_n3A_228, %mul3A_229 : i32
        %dma_wait3A_231 = arith.constant 2 : i32
        %dma_wait3A_232 = arith.constant 0 : i32
        %dma_wait3A_233 = arith.constant 0 : i32
        %dma_wait3A_234 = tpu.memref_slice %arg10[%dma_wait3A_231, %dma_wait3A_232, %dma_wait3A_233] : memref<4x64x128xf32, #tpu.memory_space<vmem>> -> memref<1x64x128xf32, #tpu.memory_space<vmem>>
        %dma_wait3A_235 = tpu.memref_squeeze %dma_wait3A_234 : memref<1x64x128xf32, #tpu.memory_space<vmem>> -> memref<64x128xf32, #tpu.memory_space<vmem>>
        %dma_wait3A_236 = tpu.memref_slice %arg8[%select_n3A_212, %mul3A_230] : memref<40x128xi32, #tpu.memory_space<vmem>> -> memref<1x64xi32, #tpu.memory_space<vmem>>
        %dma_wait3A_237 = tpu.memref_squeeze %dma_wait3A_236 : memref<1x64xi32, #tpu.memory_space<vmem>> -> memref<64xi32, #tpu.memory_space<vmem>>
        %dma_wait3A_238 = arith.constant 0 : i32
        %dma_wait3A_239 = arith.constant 0 : i32
        %dma_wait3A_240 = tpu.memref_slice %arg2[%dma_wait3A_238, %dma_wait3A_239] : memref<80000x128xf32, #tpu.memory_space<hbm>> -> memref<80000x128xf32, #tpu.memory_space<hbm>>
        tpu.wait_indirect_dma semaphore(%arg15 : memref<!tpu.dma_semaphore, #tpu.memory_space<semaphore_mem>>) src(%dma_wait3A_240 : memref<80000x128xf32, #tpu.memory_space<hbm>>) dst(%dma_wait3A_235 : memref<64x128xf32, #tpu.memory_space<vmem>>)
        %add3A_241 = arith.constant 2 : i32
        %add3A_242 = arith.addi %add3A_188, %add3A_241 : i32
        %lt3A_243 = arith.constant 80 : i32
        %lt3A_244 = arith.cmpi slt, %add3A_242, %lt3A_243 : i32
        %convert_element_type3A_245 = arith.extui %lt3A_244 : i1 to i32
        %cond3A_246 = arith.constant 0 : i32
        %cond3A_247 = arith.cmpi ne, %convert_element_type3A_245, %cond3A_246 : i32
        scf.if %cond3A_247 {
          %jit3A_311 = arith.constant 2 : i32
          %div3A_312 = arith.divsi %add3A_242, %jit3A_311 : i32
          %sign3A_313 = arith.constant 0 : i32
          %sign3A_314 = arith.cmpi sgt, %add3A_242, %sign3A_313 : i32
          %sign3A_315 = arith.extui %sign3A_314 : i1 to i32
          %sign3A_316 = arith.constant 0 : i32
          %sign3A_317 = arith.cmpi slt, %add3A_242, %sign3A_316 : i32
          %sign3A_318 = arith.extui %sign3A_317 : i1 to i32
          %sign3A_319 = arith.subi %sign3A_315, %sign3A_318 : i32
          %sign3A_320 = arith.constant 0 : i32
          %sign3A_321 = arith.cmpi sgt, %jit3A_311, %sign3A_320 : i32
          %sign3A_322 = arith.extui %sign3A_321 : i1 to i32
          %sign3A_323 = arith.constant 0 : i32
          %sign3A_324 = arith.cmpi slt, %jit3A_311, %sign3A_323 : i32
          %sign3A_325 = arith.extui %sign3A_324 : i1 to i32
          %sign3A_326 = arith.subi %sign3A_322, %sign3A_325 : i32
          %ne3A_327 = arith.cmpi ne, %sign3A_319, %sign3A_326 : i32
          %rem3A_328 = arith.remsi %add3A_242, %jit3A_311 : i32
          %ne3A_329 = arith.constant 0 : i32
          %ne3A_330 = arith.cmpi ne, %rem3A_328, %ne3A_329 : i32
          %and3A_331 = arith.andi %ne3A_327, %ne3A_330 : i1
          %sub3A_332 = arith.constant 1 : i32
          %sub3A_333 = arith.subi %div3A_312, %sub3A_332 : i32
          %select_n3A_334 = arith.select %and3A_331, %sub3A_333, %div3A_312 : i32
          %jit3A_335 = arith.constant 2 : i32
          %eq3A_336 = arith.constant 0 : i32
          %eq3A_337 = arith.cmpi eq, %jit3A_335, %eq3A_336 : i32
          %jit3A_338 = arith.constant 1 : i32
          %select_n3A_339 = arith.select %eq3A_337, %jit3A_338, %jit3A_335 : i32
          %rem3A_340 = arith.remsi %add3A_242, %select_n3A_339 : i32
          %ne3A_341 = arith.constant 0 : i32
          %ne3A_342 = arith.cmpi ne, %rem3A_340, %ne3A_341 : i32
          %lt3A_343 = arith.constant 0 : i32
          %lt3A_344 = arith.cmpi slt, %rem3A_340, %lt3A_343 : i32
          %lt3A_345 = arith.constant 0 : i32
          %lt3A_346 = arith.cmpi slt, %select_n3A_339, %lt3A_345 : i32
          %ne3A_347 = arith.xori %lt3A_344, %lt3A_346 : i1
          %and3A_348 = arith.andi %ne3A_347, %ne3A_342 : i1
          %add3A_349 = arith.addi %rem3A_340, %select_n3A_339 : i32
          %select_n3A_350 = arith.select %and3A_348, %add3A_349, %rem3A_340 : i32
          %mul3A_351 = arith.constant 64 : i32
          %mul3A_352 = arith.muli %select_n3A_350, %mul3A_351 : i32
          %dma_start3A_353 = arith.constant 0 : i32
          %dma_start3A_354 = arith.constant 0 : i32
          %dma_start3A_355 = arith.constant 0 : i32
          %dma_start3A_356 = tpu.memref_slice %arg10[%dma_start3A_353, %dma_start3A_354, %dma_start3A_355] : memref<4x64x128xf32, #tpu.memory_space<vmem>> -> memref<1x64x128xf32, #tpu.memory_space<vmem>>
          %dma_start3A_357 = tpu.memref_squeeze %dma_start3A_356 : memref<1x64x128xf32, #tpu.memory_space<vmem>> -> memref<64x128xf32, #tpu.memory_space<vmem>>
          %dma_start3A_358 = tpu.memref_slice %arg8[%select_n3A_334, %mul3A_352] : memref<40x128xi32, #tpu.memory_space<vmem>> -> memref<1x64xi32, #tpu.memory_space<vmem>>
          %dma_start3A_359 = tpu.memref_squeeze %dma_start3A_358 : memref<1x64xi32, #tpu.memory_space<vmem>> -> memref<64xi32, #tpu.memory_space<vmem>>
          %dma_start3A_360 = arith.constant 0 : i32
          %dma_start3A_361 = arith.constant 0 : i32
          %dma_start3A_362 = tpu.memref_slice %arg2[%dma_start3A_360, %dma_start3A_361] : memref<80000x128xf32, #tpu.memory_space<hbm>> -> memref<80000x128xf32, #tpu.memory_space<hbm>>
          tpu.enqueue_indirect_dma source(%dma_start3A_362 : memref<80000x128xf32, #tpu.memory_space<hbm>>) target(%dma_start3A_357 : memref<64x128xf32, #tpu.memory_space<vmem>>) offsets(%dma_start3A_359 : memref<64xi32, #tpu.memory_space<vmem>>) semaphore(%arg13 : memref<!tpu.dma_semaphore, #tpu.memory_space<semaphore_mem>>)
        } else {
        }
        %mul3A_248 = arith.constant 4 : i32
        %mul3A_249 = arith.muli %scan3A_66, %mul3A_248 : i32
        %add3A_250 = arith.constant 3 : i32
        %add3A_251 = arith.addi %mul3A_249, %add3A_250 : i32
        %jit3A_252 = arith.constant 2 : i32
        %div3A_253 = arith.divsi %add3A_251, %jit3A_252 : i32
        %sign3A_254 = arith.constant 0 : i32
        %sign3A_255 = arith.cmpi sgt, %add3A_251, %sign3A_254 : i32
        %sign3A_256 = arith.extui %sign3A_255 : i1 to i32
        %sign3A_257 = arith.constant 0 : i32
        %sign3A_258 = arith.cmpi slt, %add3A_251, %sign3A_257 : i32
        %sign3A_259 = arith.extui %sign3A_258 : i1 to i32
        %sign3A_260 = arith.subi %sign3A_256, %sign3A_259 : i32
        %sign3A_261 = arith.constant 0 : i32
        %sign3A_262 = arith.cmpi sgt, %jit3A_252, %sign3A_261 : i32
        %sign3A_263 = arith.extui %sign3A_262 : i1 to i32
        %sign3A_264 = arith.constant 0 : i32
        %sign3A_265 = arith.cmpi slt, %jit3A_252, %sign3A_264 : i32
        %sign3A_266 = arith.extui %sign3A_265 : i1 to i32
        %sign3A_267 = arith.subi %sign3A_263, %sign3A_266 : i32
        %ne3A_268 = arith.cmpi ne, %sign3A_260, %sign3A_267 : i32
        %rem3A_269 = arith.remsi %add3A_251, %jit3A_252 : i32
        %ne3A_270 = arith.constant 0 : i32
        %ne3A_271 = arith.cmpi ne, %rem3A_269, %ne3A_270 : i32
        %and3A_272 = arith.andi %ne3A_268, %ne3A_271 : i1
        %sub3A_273 = arith.constant 1 : i32
        %sub3A_274 = arith.subi %div3A_253, %sub3A_273 : i32
        %select_n3A_275 = arith.select %and3A_272, %sub3A_274, %div3A_253 : i32
        %jit3A_276 = arith.constant 2 : i32
        %eq3A_277 = arith.constant 0 : i32
        %eq3A_278 = arith.cmpi eq, %jit3A_276, %eq3A_277 : i32
        %jit3A_279 = arith.constant 1 : i32
        %select_n3A_280 = arith.select %eq3A_278, %jit3A_279, %jit3A_276 : i32
        %rem3A_281 = arith.remsi %add3A_251, %select_n3A_280 : i32
        %ne3A_282 = arith.constant 0 : i32
        %ne3A_283 = arith.cmpi ne, %rem3A_281, %ne3A_282 : i32
        %lt3A_284 = arith.constant 0 : i32
        %lt3A_285 = arith.cmpi slt, %rem3A_281, %lt3A_284 : i32
        %lt3A_286 = arith.constant 0 : i32
        %lt3A_287 = arith.cmpi slt, %select_n3A_280, %lt3A_286 : i32
        %ne3A_288 = arith.xori %lt3A_285, %lt3A_287 : i1
        %and3A_289 = arith.andi %ne3A_288, %ne3A_283 : i1
        %add3A_290 = arith.addi %rem3A_281, %select_n3A_280 : i32
        %select_n3A_291 = arith.select %and3A_289, %add3A_290, %rem3A_281 : i32
        %mul3A_292 = arith.constant 64 : i32
        %mul3A_293 = arith.muli %select_n3A_291, %mul3A_292 : i32
        %dma_wait3A_294 = arith.constant 3 : i32
        %dma_wait3A_295 = arith.constant 0 : i32
        %dma_wait3A_296 = arith.constant 0 : i32
        %dma_wait3A_297 = tpu.memref_slice %arg10[%dma_wait3A_294, %dma_wait3A_295, %dma_wait3A_296] : memref<4x64x128xf32, #tpu.memory_space<vmem>> -> memref<1x64x128xf32, #tpu.memory_space<vmem>>
        %dma_wait3A_298 = tpu.memref_squeeze %dma_wait3A_297 : memref<1x64x128xf32, #tpu.memory_space<vmem>> -> memref<64x128xf32, #tpu.memory_space<vmem>>
        %dma_wait3A_299 = tpu.memref_slice %arg8[%select_n3A_275, %mul3A_293] : memref<40x128xi32, #tpu.memory_space<vmem>> -> memref<1x64xi32, #tpu.memory_space<vmem>>
        %dma_wait3A_300 = tpu.memref_squeeze %dma_wait3A_299 : memref<1x64xi32, #tpu.memory_space<vmem>> -> memref<64xi32, #tpu.memory_space<vmem>>
        %dma_wait3A_301 = arith.constant 0 : i32
        %dma_wait3A_302 = arith.constant 0 : i32
        %dma_wait3A_303 = tpu.memref_slice %arg2[%dma_wait3A_301, %dma_wait3A_302] : memref<80000x128xf32, #tpu.memory_space<hbm>> -> memref<80000x128xf32, #tpu.memory_space<hbm>>
        tpu.wait_indirect_dma semaphore(%arg16 : memref<!tpu.dma_semaphore, #tpu.memory_space<semaphore_mem>>) src(%dma_wait3A_303 : memref<80000x128xf32, #tpu.memory_space<hbm>>) dst(%dma_wait3A_298 : memref<64x128xf32, #tpu.memory_space<vmem>>)
        %add3A_304 = arith.constant 2 : i32
        %add3A_305 = arith.addi %add3A_251, %add3A_304 : i32
        %lt3A_306 = arith.constant 80 : i32
        %lt3A_307 = arith.cmpi slt, %add3A_305, %lt3A_306 : i32
        %convert_element_type3A_308 = arith.extui %lt3A_307 : i1 to i32
        %cond3A_309 = arith.constant 0 : i32
        %cond3A_310 = arith.cmpi ne, %convert_element_type3A_308, %cond3A_309 : i32
        scf.if %cond3A_310 {
          %jit3A_311 = arith.constant 2 : i32
          %div3A_312 = arith.divsi %add3A_305, %jit3A_311 : i32
          %sign3A_313 = arith.constant 0 : i32
          %sign3A_314 = arith.cmpi sgt, %add3A_305, %sign3A_313 : i32
          %sign3A_315 = arith.extui %sign3A_314 : i1 to i32
          %sign3A_316 = arith.constant 0 : i32
          %sign3A_317 = arith.cmpi slt, %add3A_305, %sign3A_316 : i32
          %sign3A_318 = arith.extui %sign3A_317 : i1 to i32
          %sign3A_319 = arith.subi %sign3A_315, %sign3A_318 : i32
          %sign3A_320 = arith.constant 0 : i32
          %sign3A_321 = arith.cmpi sgt, %jit3A_311, %sign3A_320 : i32
          %sign3A_322 = arith.extui %sign3A_321 : i1 to i32
          %sign3A_323 = arith.constant 0 : i32
          %sign3A_324 = arith.cmpi slt, %jit3A_311, %sign3A_323 : i32
          %sign3A_325 = arith.extui %sign3A_324 : i1 to i32
          %sign3A_326 = arith.subi %sign3A_322, %sign3A_325 : i32
          %ne3A_327 = arith.cmpi ne, %sign3A_319, %sign3A_326 : i32
          %rem3A_328 = arith.remsi %add3A_305, %jit3A_311 : i32
          %ne3A_329 = arith.constant 0 : i32
          %ne3A_330 = arith.cmpi ne, %rem3A_328, %ne3A_329 : i32
          %and3A_331 = arith.andi %ne3A_327, %ne3A_330 : i1
          %sub3A_332 = arith.constant 1 : i32
          %sub3A_333 = arith.subi %div3A_312, %sub3A_332 : i32
          %select_n3A_334 = arith.select %and3A_331, %sub3A_333, %div3A_312 : i32
          %jit3A_335 = arith.constant 2 : i32
          %eq3A_336 = arith.constant 0 : i32
          %eq3A_337 = arith.cmpi eq, %jit3A_335, %eq3A_336 : i32
          %jit3A_338 = arith.constant 1 : i32
          %select_n3A_339 = arith.select %eq3A_337, %jit3A_338, %jit3A_335 : i32
          %rem3A_340 = arith.remsi %add3A_305, %select_n3A_339 : i32
          %ne3A_341 = arith.constant 0 : i32
          %ne3A_342 = arith.cmpi ne, %rem3A_340, %ne3A_341 : i32
          %lt3A_343 = arith.constant 0 : i32
          %lt3A_344 = arith.cmpi slt, %rem3A_340, %lt3A_343 : i32
          %lt3A_345 = arith.constant 0 : i32
          %lt3A_346 = arith.cmpi slt, %select_n3A_339, %lt3A_345 : i32
          %ne3A_347 = arith.xori %lt3A_344, %lt3A_346 : i1
          %and3A_348 = arith.andi %ne3A_347, %ne3A_342 : i1
          %add3A_349 = arith.addi %rem3A_340, %select_n3A_339 : i32
          %select_n3A_350 = arith.select %and3A_348, %add3A_349, %rem3A_340 : i32
          %mul3A_351 = arith.constant 64 : i32
          %mul3A_352 = arith.muli %select_n3A_350, %mul3A_351 : i32
          %dma_start3A_353 = arith.constant 1 : i32
          %dma_start3A_354 = arith.constant 0 : i32
          %dma_start3A_355 = arith.constant 0 : i32
          %dma_start3A_356 = tpu.memref_slice %arg10[%dma_start3A_353, %dma_start3A_354, %dma_start3A_355] : memref<4x64x128xf32, #tpu.memory_space<vmem>> -> memref<1x64x128xf32, #tpu.memory_space<vmem>>
          %dma_start3A_357 = tpu.memref_squeeze %dma_start3A_356 : memref<1x64x128xf32, #tpu.memory_space<vmem>> -> memref<64x128xf32, #tpu.memory_space<vmem>>
          %dma_start3A_358 = tpu.memref_slice %arg8[%select_n3A_334, %mul3A_352] : memref<40x128xi32, #tpu.memory_space<vmem>> -> memref<1x64xi32, #tpu.memory_space<vmem>>
          %dma_start3A_359 = tpu.memref_squeeze %dma_start3A_358 : memref<1x64xi32, #tpu.memory_space<vmem>> -> memref<64xi32, #tpu.memory_space<vmem>>
          %dma_start3A_360 = arith.constant 0 : i32
          %dma_start3A_361 = arith.constant 0 : i32
          %dma_start3A_362 = tpu.memref_slice %arg2[%dma_start3A_360, %dma_start3A_361] : memref<80000x128xf32, #tpu.memory_space<hbm>> -> memref<80000x128xf32, #tpu.memory_space<hbm>>
          tpu.enqueue_indirect_dma source(%dma_start3A_362 : memref<80000x128xf32, #tpu.memory_space<hbm>>) target(%dma_start3A_357 : memref<64x128xf32, #tpu.memory_space<vmem>>) offsets(%dma_start3A_359 : memref<64xi32, #tpu.memory_space<vmem>>) semaphore(%arg14 : memref<!tpu.dma_semaphore, #tpu.memory_space<semaphore_mem>>)
        } else {
        }
      }
      %scan3A_65 = arith.constant 20 : i32
    } else {
    }
    %barrier3A_50 = arith.constant 0 : index
    tpu.barrier barrier_id(%barrier3A_50)
    %lt3A = arith.constant 15 : i32
    %lt3A_51 = arith.cmpi slt, %arg1, %lt3A : i32
    %convert_element_type3A_52 = arith.extui %lt3A_51 : i1 to i32
    %cond3A_53 = arith.constant 0 : i32
    %cond3A_54 = arith.cmpi ne, %convert_element_type3A_52, %cond3A_53 : i32
    scf.if %cond3A_54 {
      "tpu.region"() ({
        %run_scoped3A = tpu.sem_alloc : memref<!tpu.dma_semaphore, #tpu.memory_space<semaphore_mem>>
        %dma_start3A_61 = arith.constant 0 : i32
        %dma_start3A_62 = tpu.memref_slice %arg7[%arg0, %mul3A_2, %dma_start3A_61] : memref<2x10000x128xf32, #tpu.memory_space<hbm>> -> memref<1x632x128xf32, #tpu.memory_space<hbm>>
        %dma_start3A_63 = tpu.memref_squeeze %dma_start3A_62 : memref<1x632x128xf32, #tpu.memory_space<hbm>> -> memref<632x128xf32, #tpu.memory_space<hbm>>
        %dma_start3A_64 = arith.constant 0 : i32
        %dma_start3A_65 = tpu.memref_slice %arg11[%mul3A_2, %dma_start3A_64] : memref<10112x128xf32, #tpu.memory_space<vmem_shared>> -> memref<632x128xf32, #tpu.memory_space<vmem_shared>>
        tpu.enqueue_dma source(%dma_start3A_65 : memref<632x128xf32, #tpu.memory_space<vmem_shared>>) target(%dma_start3A_63 : memref<632x128xf32, #tpu.memory_space<hbm>>) target_semaphore(%run_scoped3A : memref<!tpu.dma_semaphore, #tpu.memory_space<semaphore_mem>>)
        %dma_wait3A_66 = arith.constant 0 : i32
        %dma_wait3A_67 = tpu.memref_slice %arg7[%arg0, %mul3A_2, %dma_wait3A_66] : memref<2x10000x128xf32, #tpu.memory_space<hbm>> -> memref<1x632x128xf32, #tpu.memory_space<hbm>>
        %dma_wait3A_68 = tpu.memref_squeeze %dma_wait3A_67 : memref<1x632x128xf32, #tpu.memory_space<hbm>> -> memref<632x128xf32, #tpu.memory_space<hbm>>
        %dma_wait3A_69 = arith.constant 0 : i32
        %dma_wait3A_70 = tpu.memref_slice %arg11[%mul3A_2, %dma_wait3A_69] : memref<10112x128xf32, #tpu.memory_space<vmem_shared>> -> memref<632x128xf32, #tpu.memory_space<vmem_shared>>
        tpu.wait_dma2 semaphore(%run_scoped3A : memref<!tpu.dma_semaphore, #tpu.memory_space<semaphore_mem>>) src(%dma_wait3A_70 : memref<632x128xf32, #tpu.memory_space<vmem_shared>>) dst(%dma_wait3A_68 : memref<632x128xf32, #tpu.memory_space<hbm>>)
        tpu.yield
      }) : () -> ()
    } else {
    }
    %eq3A_55 = arith.constant 15 : i32
    %eq3A_56 = arith.cmpi eq, %arg1, %eq3A_55 : i32
    %convert_element_type3A_57 = arith.extui %eq3A_56 : i1 to i32
    %cond3A_58 = arith.constant 0 : i32
    %cond3A_59 = arith.cmpi ne, %convert_element_type3A_57, %cond3A_58 : i32
    scf.if %cond3A_59 {
      "tpu.region"() ({
        %run_scoped3A = tpu.sem_alloc : memref<!tpu.dma_semaphore, #tpu.memory_space<semaphore_mem>>
        %dma_start3A_61 = arith.constant 0 : i32
        %dma_start3A_62 = tpu.memref_slice %arg7[%arg0, %mul3A_2, %dma_start3A_61] : memref<2x10000x128xf32, #tpu.memory_space<hbm>> -> memref<1x520x128xf32, #tpu.memory_space<hbm>>
        %dma_start3A_63 = tpu.memref_squeeze %dma_start3A_62 : memref<1x520x128xf32, #tpu.memory_space<hbm>> -> memref<520x128xf32, #tpu.memory_space<hbm>>
        %dma_start3A_64 = arith.constant 0 : i32
        %dma_start3A_65 = tpu.memref_slice %arg11[%mul3A_2, %dma_start3A_64] : memref<10112x128xf32, #tpu.memory_space<vmem_shared>> -> memref<520x128xf32, #tpu.memory_space<vmem_shared>>
        tpu.enqueue_dma source(%dma_start3A_65 : memref<520x128xf32, #tpu.memory_space<vmem_shared>>) target(%dma_start3A_63 : memref<520x128xf32, #tpu.memory_space<hbm>>) target_semaphore(%run_scoped3A : memref<!tpu.dma_semaphore, #tpu.memory_space<semaphore_mem>>)
        %dma_wait3A_66 = arith.constant 0 : i32
        %dma_wait3A_67 = tpu.memref_slice %arg7[%arg0, %mul3A_2, %dma_wait3A_66] : memref<2x10000x128xf32, #tpu.memory_space<hbm>> -> memref<1x520x128xf32, #tpu.memory_space<hbm>>
        %dma_wait3A_68 = tpu.memref_squeeze %dma_wait3A_67 : memref<1x520x128xf32, #tpu.memory_space<hbm>> -> memref<520x128xf32, #tpu.memory_space<hbm>>
        %dma_wait3A_69 = arith.constant 0 : i32
        %dma_wait3A_70 = tpu.memref_slice %arg11[%mul3A_2, %dma_wait3A_69] : memref<10112x128xf32, #tpu.memory_space<vmem_shared>> -> memref<520x128xf32, #tpu.memory_space<vmem_shared>>
        tpu.wait_dma2 semaphore(%run_scoped3A : memref<!tpu.dma_semaphore, #tpu.memory_space<semaphore_mem>>) src(%dma_wait3A_70 : memref<520x128xf32, #tpu.memory_space<vmem_shared>>) dst(%dma_wait3A_68 : memref<520x128xf32, #tpu.memory_space<hbm>>)
        tpu.yield
      }) : () -> ()
    } else {
    }
    %barrier3A_60 = arith.constant 0 : index
    tpu.barrier barrier_id(%barrier3A_60)
    return
  }
}

#map = affine_map<(d0, d1) -> (0, 0)>
#map1 = affine_map<(d0, d1) -> (0, 0, 0)>
module attributes {stable_mosaic.version = 14 : i64} {
  func.func @sc_agg(%arg0: i32, %arg1: i32, %arg2: memref<80000x128xf32, #tpu.memory_space<hbm>>, %arg3: memref<32x40x128xi32, #tpu.memory_space<hbm>>, %arg4: memref<32x80x64xi32, #tpu.memory_space<hbm>>, %arg5: memref<10000x128xf32, #tpu.memory_space<hbm>>, %arg6: memref<10112x128xf32, #tpu.memory_space<hbm>>, %arg7: memref<2x10000x128xf32, #tpu.memory_space<hbm>>, %arg8: memref<40x128xi32, #tpu.memory_space<vmem>>, %arg9: memref<80x64xi32, #tpu.memory_space<vmem>>, %arg10: memref<4x64x128xf32, #tpu.memory_space<vmem>>, %arg11: memref<10112x128xf32, #tpu.memory_space<vmem_shared>>, %arg12: memref<!tpu.dma_semaphore, #tpu.memory_space<semaphore_mem>>, %arg13: memref<!tpu.dma_semaphore, #tpu.memory_space<semaphore_mem>>, %arg14: memref<!tpu.dma_semaphore, #tpu.memory_space<semaphore_mem>>, %arg15: memref<!tpu.dma_semaphore, #tpu.memory_space<semaphore_mem>>, %arg16: memref<!tpu.dma_semaphore, #tpu.memory_space<semaphore_mem>>, %arg17: memref<!tpu.dma_semaphore, #tpu.memory_space<semaphore_mem>>, %arg18: memref<!tpu.dma_semaphore, #tpu.memory_space<semaphore_mem>>, %arg19: memref<!tpu.dma_semaphore, #tpu.memory_space<semaphore_mem>>, %arg20: memref<!tpu.dma_semaphore, #tpu.memory_space<semaphore_mem>>) attributes {dimension_semantics = [#tpu.dimension_semantics<core_parallel>, #tpu.dimension_semantics<subcore_parallel>], iteration_bounds = array<i64: 2, 16>, scalar_prefetch = 0 : i64, scratch_operands = 13 : i64, tpu.core_type = #tpu.core_type<sc_vector_subcore>, window_params = [{transform_indices = #map}, {transform_indices = #map1}, {transform_indices = #map1}, {transform_indices = #map}, {transform_indices = #map}, {transform_indices = #map1}]} {
    %mul3A = arith.constant 16 : i32
    %mul3A_0 = arith.muli %arg0, %mul3A : i32
    %add3A = arith.addi %mul3A_0, %arg1 : i32
    %mul3A_1 = arith.constant 632 : i32
    %mul3A_2 = arith.muli %arg1, %mul3A_1 : i32
    %dma_start3A = arith.constant 0 : i32
    %dma_start3A_3 = arith.constant 0 : i32
    %dma_start3A_4 = tpu.memref_slice %arg3[%add3A, %dma_start3A, %dma_start3A_3] : memref<32x40x128xi32, #tpu.memory_space<hbm>> -> memref<1x40x128xi32, #tpu.memory_space<hbm>>
    %dma_start3A_5 = tpu.memref_squeeze %dma_start3A_4 : memref<1x40x128xi32, #tpu.memory_space<hbm>> -> memref<40x128xi32, #tpu.memory_space<hbm>>
    %dma_start3A_6 = arith.constant 0 : i32
    %dma_start3A_7 = arith.constant 0 : i32
    %dma_start3A_8 = tpu.memref_slice %arg3[%add3A, %dma_start3A_6, %dma_start3A_7] : memref<32x40x128xi32, #tpu.memory_space<hbm>> -> memref<1x40x128xi32, #tpu.memory_space<hbm>>
    %dma_start3A_9 = tpu.memref_squeeze %dma_start3A_8 : memref<1x40x128xi32, #tpu.memory_space<hbm>> -> memref<40x128xi32, #tpu.memory_space<hbm>>
    tpu.enqueue_dma source(%dma_start3A_9 : memref<40x128xi32, #tpu.memory_space<hbm>>) target(%arg8 : memref<40x128xi32, #tpu.memory_space<vmem>>) target_semaphore(%arg12 : memref<!tpu.dma_semaphore, #tpu.memory_space<semaphore_mem>>)
    %dma_start3A_10 = arith.constant 0 : i32
    %dma_start3A_11 = arith.constant 0 : i32
    %dma_start3A_12 = tpu.memref_slice %arg4[%add3A, %dma_start3A_10, %dma_start3A_11] : memref<32x80x64xi32, #tpu.memory_space<hbm>> -> memref<1x80x64xi32, #tpu.memory_space<hbm>>
    %dma_start3A_13 = tpu.memref_squeeze %dma_start3A_12 : memref<1x80x64xi32, #tpu.memory_space<hbm>> -> memref<80x64xi32, #tpu.memory_space<hbm>>
    %dma_start3A_14 = arith.constant 0 : i32
    %dma_start3A_15 = arith.constant 0 : i32
    %dma_start3A_16 = tpu.memref_slice %arg4[%add3A, %dma_start3A_14, %dma_start3A_15] : memref<32x80x64xi32, #tpu.memory_space<hbm>> -> memref<1x80x64xi32, #tpu.memory_space<hbm>>
    %dma_start3A_17 = tpu.memref_squeeze %dma_start3A_16 : memref<1x80x64xi32, #tpu.memory_space<hbm>> -> memref<80x64xi32, #tpu.memory_space<hbm>>
    tpu.enqueue_dma source(%dma_start3A_17 : memref<80x64xi32, #tpu.memory_space<hbm>>) target(%arg9 : memref<80x64xi32, #tpu.memory_space<vmem>>) target_semaphore(%arg12 : memref<!tpu.dma_semaphore, #tpu.memory_space<semaphore_mem>>)
    %eq3A = arith.constant 0 : i32
    %eq3A_18 = arith.cmpi eq, %arg0, %eq3A : i32
    %convert_element_type3A = arith.extui %eq3A_18 : i1 to i32
    %cond3A = arith.constant 0 : i32
    %cond3A_19 = arith.cmpi ne, %convert_element_type3A, %cond3A : i32
    scf.if %cond3A_19 {
      %lt3A_61 = arith.constant 15 : i32
      %lt3A_62 = arith.cmpi slt, %arg1, %lt3A_61 : i32
      %convert_element_type3A_63 = arith.extui %lt3A_62 : i1 to i32
      %cond3A_64 = arith.constant 0 : i32
      %cond3A_65 = arith.cmpi ne, %convert_element_type3A_63, %cond3A_64 : i32
      scf.if %cond3A_65 {
        "tpu.region"() ({
          %run_scoped3A = tpu.sem_alloc : memref<!tpu.dma_semaphore, #tpu.memory_space<semaphore_mem>>
          %dma_start3A_71 = arith.constant 0 : i32
          %dma_start3A_72 = tpu.memref_slice %arg11[%mul3A_2, %dma_start3A_71] : memref<10112x128xf32, #tpu.memory_space<vmem_shared>> -> memref<632x128xf32, #tpu.memory_space<vmem_shared>>
          %dma_start3A_73 = arith.constant 0 : i32
          %dma_start3A_74 = tpu.memref_slice %arg5[%mul3A_2, %dma_start3A_73] : memref<10000x128xf32, #tpu.memory_space<hbm>> -> memref<632x128xf32, #tpu.memory_space<hbm>>
          tpu.enqueue_dma source(%dma_start3A_74 : memref<632x128xf32, #tpu.memory_space<hbm>>) target(%dma_start3A_72 : memref<632x128xf32, #tpu.memory_space<vmem_shared>>) target_semaphore(%run_scoped3A : memref<!tpu.dma_semaphore, #tpu.memory_space<semaphore_mem>>)
          %dma_wait3A_75 = arith.constant 0 : i32
          %dma_wait3A_76 = tpu.memref_slice %arg11[%mul3A_2, %dma_wait3A_75] : memref<10112x128xf32, #tpu.memory_space<vmem_shared>> -> memref<632x128xf32, #tpu.memory_space<vmem_shared>>
          %dma_wait3A_77 = arith.constant 0 : i32
          %dma_wait3A_78 = tpu.memref_slice %arg5[%mul3A_2, %dma_wait3A_77] : memref<10000x128xf32, #tpu.memory_space<hbm>> -> memref<632x128xf32, #tpu.memory_space<hbm>>
          tpu.wait_dma2 semaphore(%run_scoped3A : memref<!tpu.dma_semaphore, #tpu.memory_space<semaphore_mem>>) src(%dma_wait3A_78 : memref<632x128xf32, #tpu.memory_space<hbm>>) dst(%dma_wait3A_76 : memref<632x128xf32, #tpu.memory_space<vmem_shared>>)
          tpu.yield
        }) : () -> ()
      } else {
      }
      %eq3A_66 = arith.constant 15 : i32
      %eq3A_67 = arith.cmpi eq, %arg1, %eq3A_66 : i32
      %convert_element_type3A_68 = arith.extui %eq3A_67 : i1 to i32
      %cond3A_69 = arith.constant 0 : i32
      %cond3A_70 = arith.cmpi ne, %convert_element_type3A_68, %cond3A_69 : i32
      scf.if %cond3A_70 {
        "tpu.region"() ({
          %run_scoped3A = tpu.sem_alloc : memref<!tpu.dma_semaphore, #tpu.memory_space<semaphore_mem>>
          %dma_start3A_75 = arith.constant 0 : i32
          %dma_start3A_76 = tpu.memref_slice %arg11[%mul3A_2, %dma_start3A_75] : memref<10112x128xf32, #tpu.memory_space<vmem_shared>> -> memref<520x128xf32, #tpu.memory_space<vmem_shared>>
          %dma_start3A_77 = arith.constant 0 : i32
          %dma_start3A_78 = tpu.memref_slice %arg5[%mul3A_2, %dma_start3A_77] : memref<10000x128xf32, #tpu.memory_space<hbm>> -> memref<520x128xf32, #tpu.memory_space<hbm>>
          tpu.enqueue_dma source(%dma_start3A_78 : memref<520x128xf32, #tpu.memory_space<hbm>>) target(%dma_start3A_76 : memref<520x128xf32, #tpu.memory_space<vmem_shared>>) target_semaphore(%run_scoped3A : memref<!tpu.dma_semaphore, #tpu.memory_space<semaphore_mem>>)
          %dma_wait3A_79 = arith.constant 0 : i32
          %dma_wait3A_80 = tpu.memref_slice %arg11[%mul3A_2, %dma_wait3A_79] : memref<10112x128xf32, #tpu.memory_space<vmem_shared>> -> memref<520x128xf32, #tpu.memory_space<vmem_shared>>
          %dma_wait3A_81 = arith.constant 0 : i32
          %dma_wait3A_82 = tpu.memref_slice %arg5[%mul3A_2, %dma_wait3A_81] : memref<10000x128xf32, #tpu.memory_space<hbm>> -> memref<520x128xf32, #tpu.memory_space<hbm>>
          tpu.wait_dma2 semaphore(%run_scoped3A : memref<!tpu.dma_semaphore, #tpu.memory_space<semaphore_mem>>) src(%dma_wait3A_82 : memref<520x128xf32, #tpu.memory_space<hbm>>) dst(%dma_wait3A_80 : memref<520x128xf32, #tpu.memory_space<vmem_shared>>)
          tpu.yield
        }) : () -> ()
        %add3A_71 = arith.constant 520 : i32
        %add3A_72 = arith.addi %mul3A_2, %add3A_71 : i32
        %add3A_73 = arith.constant 520 : i32
        %add3A_74 = arith.addi %mul3A_2, %add3A_73 : i32
        "tpu.region"() ({
          %run_scoped3A = tpu.sem_alloc : memref<!tpu.dma_semaphore, #tpu.memory_space<semaphore_mem>>
          %dma_start3A_75 = arith.constant 0 : i32
          %dma_start3A_76 = tpu.memref_slice %arg11[%add3A_74, %dma_start3A_75] : memref<10112x128xf32, #tpu.memory_space<vmem_shared>> -> memref<112x128xf32, #tpu.memory_space<vmem_shared>>
          %dma_start3A_77 = arith.constant 0 : i32
          %dma_start3A_78 = tpu.memref_slice %arg6[%add3A_72, %dma_start3A_77] : memref<10112x128xf32, #tpu.memory_space<hbm>> -> memref<112x128xf32, #tpu.memory_space<hbm>>
          tpu.enqueue_dma source(%dma_start3A_78 : memref<112x128xf32, #tpu.memory_space<hbm>>) target(%dma_start3A_76 : memref<112x128xf32, #tpu.memory_space<vmem_shared>>) target_semaphore(%run_scoped3A : memref<!tpu.dma_semaphore, #tpu.memory_space<semaphore_mem>>)
          %dma_wait3A_79 = arith.constant 0 : i32
          %dma_wait3A_80 = tpu.memref_slice %arg11[%add3A_74, %dma_wait3A_79] : memref<10112x128xf32, #tpu.memory_space<vmem_shared>> -> memref<112x128xf32, #tpu.memory_space<vmem_shared>>
          %dma_wait3A_81 = arith.constant 0 : i32
          %dma_wait3A_82 = tpu.memref_slice %arg6[%add3A_72, %dma_wait3A_81] : memref<10112x128xf32, #tpu.memory_space<hbm>> -> memref<112x128xf32, #tpu.memory_space<hbm>>
          tpu.wait_dma2 semaphore(%run_scoped3A : memref<!tpu.dma_semaphore, #tpu.memory_space<semaphore_mem>>) src(%dma_wait3A_82 : memref<112x128xf32, #tpu.memory_space<hbm>>) dst(%dma_wait3A_80 : memref<112x128xf32, #tpu.memory_space<vmem_shared>>)
          tpu.yield
        }) : () -> ()
      } else {
      }
    } else {
    }
    %eq3A_20 = arith.constant 1 : i32
    %eq3A_21 = arith.cmpi eq, %arg0, %eq3A_20 : i32
    %convert_element_type3A_22 = arith.extui %eq3A_21 : i1 to i32
    %cond3A_23 = arith.constant 0 : i32
    %cond3A_24 = arith.cmpi ne, %convert_element_type3A_22, %cond3A_23 : i32
    scf.if %cond3A_24 {
      "tpu.region"() ({
        %run_scoped3A = tpu.sem_alloc : memref<!tpu.dma_semaphore, #tpu.memory_space<semaphore_mem>>
        %dma_start3A_61 = arith.constant 0 : i32
        %dma_start3A_62 = tpu.memref_slice %arg11[%mul3A_2, %dma_start3A_61] : memref<10112x128xf32, #tpu.memory_space<vmem_shared>> -> memref<632x128xf32, #tpu.memory_space<vmem_shared>>
        %dma_start3A_63 = arith.constant 0 : i32
        %dma_start3A_64 = tpu.memref_slice %arg6[%mul3A_2, %dma_start3A_63] : memref<10112x128xf32, #tpu.memory_space<hbm>> -> memref<632x128xf32, #tpu.memory_space<hbm>>
        tpu.enqueue_dma source(%dma_start3A_64 : memref<632x128xf32, #tpu.memory_space<hbm>>) target(%dma_start3A_62 : memref<632x128xf32, #tpu.memory_space<vmem_shared>>) target_semaphore(%run_scoped3A : memref<!tpu.dma_semaphore, #tpu.memory_space<semaphore_mem>>)
        %dma_wait3A_65 = arith.constant 0 : i32
        %dma_wait3A_66 = tpu.memref_slice %arg11[%mul3A_2, %dma_wait3A_65] : memref<10112x128xf32, #tpu.memory_space<vmem_shared>> -> memref<632x128xf32, #tpu.memory_space<vmem_shared>>
        %dma_wait3A_67 = arith.constant 0 : i32
        %dma_wait3A_68 = tpu.memref_slice %arg6[%mul3A_2, %dma_wait3A_67] : memref<10112x128xf32, #tpu.memory_space<hbm>> -> memref<632x128xf32, #tpu.memory_space<hbm>>
        tpu.wait_dma2 semaphore(%run_scoped3A : memref<!tpu.dma_semaphore, #tpu.memory_space<semaphore_mem>>) src(%dma_wait3A_68 : memref<632x128xf32, #tpu.memory_space<hbm>>) dst(%dma_wait3A_66 : memref<632x128xf32, #tpu.memory_space<vmem_shared>>)
        tpu.yield
      }) : () -> ()
    } else {
    }
    %barrier3A = arith.constant 0 : index
    tpu.barrier barrier_id(%barrier3A)
    %dma_wait3A = arith.constant 0 : i32
    %dma_wait3A_25 = arith.constant 0 : i32
    %dma_wait3A_26 = tpu.memref_slice %arg3[%add3A, %dma_wait3A, %dma_wait3A_25] : memref<32x40x128xi32, #tpu.memory_space<hbm>> -> memref<1x40x128xi32, #tpu.memory_space<hbm>>
    %dma_wait3A_27 = tpu.memref_squeeze %dma_wait3A_26 : memref<1x40x128xi32, #tpu.memory_space<hbm>> -> memref<40x128xi32, #tpu.memory_space<hbm>>
    %dma_wait3A_28 = arith.constant 0 : i32
    %dma_wait3A_29 = arith.constant 0 : i32
    %dma_wait3A_30 = tpu.memref_slice %arg3[%add3A, %dma_wait3A_28, %dma_wait3A_29] : memref<32x40x128xi32, #tpu.memory_space<hbm>> -> memref<1x40x128xi32, #tpu.memory_space<hbm>>
    %dma_wait3A_31 = tpu.memref_squeeze %dma_wait3A_30 : memref<1x40x128xi32, #tpu.memory_space<hbm>> -> memref<40x128xi32, #tpu.memory_space<hbm>>
    tpu.wait_dma2 semaphore(%arg12 : memref<!tpu.dma_semaphore, #tpu.memory_space<semaphore_mem>>) src(%dma_wait3A_31 : memref<40x128xi32, #tpu.memory_space<hbm>>) dst(%arg8 : memref<40x128xi32, #tpu.memory_space<vmem>>)
    %dma_wait3A_32 = arith.constant 0 : i32
    %dma_wait3A_33 = arith.constant 0 : i32
    %dma_wait3A_34 = tpu.memref_slice %arg4[%add3A, %dma_wait3A_32, %dma_wait3A_33] : memref<32x80x64xi32, #tpu.memory_space<hbm>> -> memref<1x80x64xi32, #tpu.memory_space<hbm>>
    %dma_wait3A_35 = tpu.memref_squeeze %dma_wait3A_34 : memref<1x80x64xi32, #tpu.memory_space<hbm>> -> memref<80x64xi32, #tpu.memory_space<hbm>>
    %dma_wait3A_36 = arith.constant 0 : i32
    %dma_wait3A_37 = arith.constant 0 : i32
    %dma_wait3A_38 = tpu.memref_slice %arg4[%add3A, %dma_wait3A_36, %dma_wait3A_37] : memref<32x80x64xi32, #tpu.memory_space<hbm>> -> memref<1x80x64xi32, #tpu.memory_space<hbm>>
    %dma_wait3A_39 = tpu.memref_squeeze %dma_wait3A_38 : memref<1x80x64xi32, #tpu.memory_space<hbm>> -> memref<80x64xi32, #tpu.memory_space<hbm>>
    tpu.wait_dma2 semaphore(%arg12 : memref<!tpu.dma_semaphore, #tpu.memory_space<semaphore_mem>>) src(%dma_wait3A_39 : memref<80x64xi32, #tpu.memory_space<hbm>>) dst(%arg9 : memref<80x64xi32, #tpu.memory_space<vmem>>)
    %eq3A_40 = arith.constant 1 : i32
    %eq3A_41 = arith.cmpi eq, %arg0, %eq3A_40 : i32
    %convert_element_type3A_42 = arith.extui %eq3A_41 : i1 to i32
    %cond3A_43 = arith.constant 0 : i32
    %cond3A_44 = arith.cmpi ne, %convert_element_type3A_42, %cond3A_43 : i32
    scf.if %cond3A_44 {
      %dma_start3A_61 = arith.constant 0 : i32
      %dma_start3A_62 = arith.constant 0 : i32
      %dma_start3A_63 = arith.constant 0 : i32
      %dma_start3A_64 = arith.constant 0 : i32
      %dma_start3A_65 = tpu.memref_slice %arg10[%dma_start3A_62, %dma_start3A_63, %dma_start3A_64] : memref<4x64x128xf32, #tpu.memory_space<vmem>> -> memref<1x64x128xf32, #tpu.memory_space<vmem>>
      %dma_start3A_66 = tpu.memref_squeeze %dma_start3A_65 : memref<1x64x128xf32, #tpu.memory_space<vmem>> -> memref<64x128xf32, #tpu.memory_space<vmem>>
      %dma_start3A_67 = arith.constant 0 : i32
      %dma_start3A_68 = tpu.memref_slice %arg8[%dma_start3A_61, %dma_start3A_67] : memref<40x128xi32, #tpu.memory_space<vmem>> -> memref<1x64xi32, #tpu.memory_space<vmem>>
      %dma_start3A_69 = tpu.memref_squeeze %dma_start3A_68 : memref<1x64xi32, #tpu.memory_space<vmem>> -> memref<64xi32, #tpu.memory_space<vmem>>
      %dma_start3A_70 = arith.constant 0 : i32
      %dma_start3A_71 = arith.constant 0 : i32
      %dma_start3A_72 = tpu.memref_slice %arg2[%dma_start3A_70, %dma_start3A_71] : memref<80000x128xf32, #tpu.memory_space<hbm>> -> memref<80000x128xf32, #tpu.memory_space<hbm>>
      tpu.enqueue_indirect_dma source(%dma_start3A_72 : memref<80000x128xf32, #tpu.memory_space<hbm>>) target(%dma_start3A_66 : memref<64x128xf32, #tpu.memory_space<vmem>>) offsets(%dma_start3A_69 : memref<64xi32, #tpu.memory_space<vmem>>) semaphore(%arg13 : memref<!tpu.dma_semaphore, #tpu.memory_space<semaphore_mem>>)
      %dma_start3A_73 = arith.constant 0 : i32
      %dma_start3A_74 = arith.constant 1 : i32
      %dma_start3A_75 = arith.constant 0 : i32
      %dma_start3A_76 = arith.constant 0 : i32
      %dma_start3A_77 = tpu.memref_slice %arg10[%dma_start3A_74, %dma_start3A_75, %dma_start3A_76] : memref<4x64x128xf32, #tpu.memory_space<vmem>> -> memref<1x64x128xf32, #tpu.memory_space<vmem>>
      %dma_start3A_78 = tpu.memref_squeeze %dma_start3A_77 : memref<1x64x128xf32, #tpu.memory_space<vmem>> -> memref<64x128xf32, #tpu.memory_space<vmem>>
      %dma_start3A_79 = arith.constant 64 : i32
      %dma_start3A_80 = tpu.memref_slice %arg8[%dma_start3A_73, %dma_start3A_79] : memref<40x128xi32, #tpu.memory_space<vmem>> -> memref<1x64xi32, #tpu.memory_space<vmem>>
      %dma_start3A_81 = tpu.memref_squeeze %dma_start3A_80 : memref<1x64xi32, #tpu.memory_space<vmem>> -> memref<64xi32, #tpu.memory_space<vmem>>
      %dma_start3A_82 = arith.constant 0 : i32
      %dma_start3A_83 = arith.constant 0 : i32
      %dma_start3A_84 = tpu.memref_slice %arg2[%dma_start3A_82, %dma_start3A_83] : memref<80000x128xf32, #tpu.memory_space<hbm>> -> memref<80000x128xf32, #tpu.memory_space<hbm>>
      tpu.enqueue_indirect_dma source(%dma_start3A_84 : memref<80000x128xf32, #tpu.memory_space<hbm>>) target(%dma_start3A_78 : memref<64x128xf32, #tpu.memory_space<vmem>>) offsets(%dma_start3A_81 : memref<64xi32, #tpu.memory_space<vmem>>) semaphore(%arg14 : memref<!tpu.dma_semaphore, #tpu.memory_space<semaphore_mem>>)
    } else {
    }
    %eq3A_45 = arith.constant 1 : i32
    %eq3A_46 = arith.cmpi eq, %arg0, %eq3A_45 : i32
    %convert_element_type3A_47 = arith.extui %eq3A_46 : i1 to i32
    %cond3A_48 = arith.constant 0 : i32
    %cond3A_49 = arith.cmpi ne, %convert_element_type3A_47, %cond3A_48 : i32
    scf.if %cond3A_49 {
      %scan3A = arith.constant 0 : i32
      %scan3A_61 = arith.constant 0 : i32
      %scan3A_62 = arith.constant 20 : i32
      %scan3A_63 = arith.addi %scan3A_61, %scan3A_62 : i32
      %scan3A_64 = arith.constant 1 : i32
      scf.for %scan3A_66 = %scan3A_61 to %scan3A_63 step %scan3A_64  : i32 {
        %mul3A_67 = arith.constant 4 : i32
        %mul3A_68 = arith.muli %scan3A_66, %mul3A_67 : i32
        %add3A_69 = arith.constant 0 : i32
        %add3A_70 = arith.addi %mul3A_68, %add3A_69 : i32
        %jit3A = arith.constant 2 : i32
        %div3A = arith.divsi %add3A_70, %jit3A : i32
        %sign3A = arith.constant 0 : i32
        %sign3A_71 = arith.cmpi sgt, %add3A_70, %sign3A : i32
        %sign3A_72 = arith.extui %sign3A_71 : i1 to i32
        %sign3A_73 = arith.constant 0 : i32
        %sign3A_74 = arith.cmpi slt, %add3A_70, %sign3A_73 : i32
        %sign3A_75 = arith.extui %sign3A_74 : i1 to i32
        %sign3A_76 = arith.subi %sign3A_72, %sign3A_75 : i32
        %sign3A_77 = arith.constant 0 : i32
        %sign3A_78 = arith.cmpi sgt, %jit3A, %sign3A_77 : i32
        %sign3A_79 = arith.extui %sign3A_78 : i1 to i32
        %sign3A_80 = arith.constant 0 : i32
        %sign3A_81 = arith.cmpi slt, %jit3A, %sign3A_80 : i32
        %sign3A_82 = arith.extui %sign3A_81 : i1 to i32
        %sign3A_83 = arith.subi %sign3A_79, %sign3A_82 : i32
        %ne3A = arith.cmpi ne, %sign3A_76, %sign3A_83 : i32
        %rem3A = arith.remsi %add3A_70, %jit3A : i32
        %ne3A_84 = arith.constant 0 : i32
        %ne3A_85 = arith.cmpi ne, %rem3A, %ne3A_84 : i32
        %and3A = arith.andi %ne3A, %ne3A_85 : i1
        %sub3A = arith.constant 1 : i32
        %sub3A_86 = arith.subi %div3A, %sub3A : i32
        %select_n3A = arith.select %and3A, %sub3A_86, %div3A : i32
        %jit3A_87 = arith.constant 2 : i32
        %eq3A_88 = arith.constant 0 : i32
        %eq3A_89 = arith.cmpi eq, %jit3A_87, %eq3A_88 : i32
        %jit3A_90 = arith.constant 1 : i32
        %select_n3A_91 = arith.select %eq3A_89, %jit3A_90, %jit3A_87 : i32
        %rem3A_92 = arith.remsi %add3A_70, %select_n3A_91 : i32
        %ne3A_93 = arith.constant 0 : i32
        %ne3A_94 = arith.cmpi ne, %rem3A_92, %ne3A_93 : i32
        %lt3A_95 = arith.constant 0 : i32
        %lt3A_96 = arith.cmpi slt, %rem3A_92, %lt3A_95 : i32
        %lt3A_97 = arith.constant 0 : i32
        %lt3A_98 = arith.cmpi slt, %select_n3A_91, %lt3A_97 : i32
        %ne3A_99 = arith.xori %lt3A_96, %lt3A_98 : i1
        %and3A_100 = arith.andi %ne3A_99, %ne3A_94 : i1
        %add3A_101 = arith.addi %rem3A_92, %select_n3A_91 : i32
        %select_n3A_102 = arith.select %and3A_100, %add3A_101, %rem3A_92 : i32
        %mul3A_103 = arith.constant 64 : i32
        %mul3A_104 = arith.muli %select_n3A_102, %mul3A_103 : i32
        %dma_wait3A_105 = arith.constant 0 : i32
        %dma_wait3A_106 = arith.constant 0 : i32
        %dma_wait3A_107 = arith.constant 0 : i32
        %dma_wait3A_108 = tpu.memref_slice %arg10[%dma_wait3A_105, %dma_wait3A_106, %dma_wait3A_107] : memref<4x64x128xf32, #tpu.memory_space<vmem>> -> memref<1x64x128xf32, #tpu.memory_space<vmem>>
        %dma_wait3A_109 = tpu.memref_squeeze %dma_wait3A_108 : memref<1x64x128xf32, #tpu.memory_space<vmem>> -> memref<64x128xf32, #tpu.memory_space<vmem>>
        %dma_wait3A_110 = tpu.memref_slice %arg8[%select_n3A, %mul3A_104] : memref<40x128xi32, #tpu.memory_space<vmem>> -> memref<1x64xi32, #tpu.memory_space<vmem>>
        %dma_wait3A_111 = tpu.memref_squeeze %dma_wait3A_110 : memref<1x64xi32, #tpu.memory_space<vmem>> -> memref<64xi32, #tpu.memory_space<vmem>>
        %dma_wait3A_112 = arith.constant 0 : i32
        %dma_wait3A_113 = arith.constant 0 : i32
        %dma_wait3A_114 = tpu.memref_slice %arg2[%dma_wait3A_112, %dma_wait3A_113] : memref<80000x128xf32, #tpu.memory_space<hbm>> -> memref<80000x128xf32, #tpu.memory_space<hbm>>
        tpu.wait_indirect_dma semaphore(%arg13 : memref<!tpu.dma_semaphore, #tpu.memory_space<semaphore_mem>>) src(%dma_wait3A_114 : memref<80000x128xf32, #tpu.memory_space<hbm>>) dst(%dma_wait3A_109 : memref<64x128xf32, #tpu.memory_space<vmem>>)
        %add3A_115 = arith.constant 2 : i32
        %add3A_116 = arith.addi %add3A_70, %add3A_115 : i32
        %lt3A_117 = arith.constant 80 : i32
        %lt3A_118 = arith.cmpi slt, %add3A_116, %lt3A_117 : i32
        %convert_element_type3A_119 = arith.extui %lt3A_118 : i1 to i32
        %cond3A_120 = arith.constant 0 : i32
        %cond3A_121 = arith.cmpi ne, %convert_element_type3A_119, %cond3A_120 : i32
        scf.if %cond3A_121 {
          %jit3A_311 = arith.constant 2 : i32
          %div3A_312 = arith.divsi %add3A_116, %jit3A_311 : i32
          %sign3A_313 = arith.constant 0 : i32
          %sign3A_314 = arith.cmpi sgt, %add3A_116, %sign3A_313 : i32
          %sign3A_315 = arith.extui %sign3A_314 : i1 to i32
          %sign3A_316 = arith.constant 0 : i32
          %sign3A_317 = arith.cmpi slt, %add3A_116, %sign3A_316 : i32
          %sign3A_318 = arith.extui %sign3A_317 : i1 to i32
          %sign3A_319 = arith.subi %sign3A_315, %sign3A_318 : i32
          %sign3A_320 = arith.constant 0 : i32
          %sign3A_321 = arith.cmpi sgt, %jit3A_311, %sign3A_320 : i32
          %sign3A_322 = arith.extui %sign3A_321 : i1 to i32
          %sign3A_323 = arith.constant 0 : i32
          %sign3A_324 = arith.cmpi slt, %jit3A_311, %sign3A_323 : i32
          %sign3A_325 = arith.extui %sign3A_324 : i1 to i32
          %sign3A_326 = arith.subi %sign3A_322, %sign3A_325 : i32
          %ne3A_327 = arith.cmpi ne, %sign3A_319, %sign3A_326 : i32
          %rem3A_328 = arith.remsi %add3A_116, %jit3A_311 : i32
          %ne3A_329 = arith.constant 0 : i32
          %ne3A_330 = arith.cmpi ne, %rem3A_328, %ne3A_329 : i32
          %and3A_331 = arith.andi %ne3A_327, %ne3A_330 : i1
          %sub3A_332 = arith.constant 1 : i32
          %sub3A_333 = arith.subi %div3A_312, %sub3A_332 : i32
          %select_n3A_334 = arith.select %and3A_331, %sub3A_333, %div3A_312 : i32
          %jit3A_335 = arith.constant 2 : i32
          %eq3A_336 = arith.constant 0 : i32
          %eq3A_337 = arith.cmpi eq, %jit3A_335, %eq3A_336 : i32
          %jit3A_338 = arith.constant 1 : i32
          %select_n3A_339 = arith.select %eq3A_337, %jit3A_338, %jit3A_335 : i32
          %rem3A_340 = arith.remsi %add3A_116, %select_n3A_339 : i32
          %ne3A_341 = arith.constant 0 : i32
          %ne3A_342 = arith.cmpi ne, %rem3A_340, %ne3A_341 : i32
          %lt3A_343 = arith.constant 0 : i32
          %lt3A_344 = arith.cmpi slt, %rem3A_340, %lt3A_343 : i32
          %lt3A_345 = arith.constant 0 : i32
          %lt3A_346 = arith.cmpi slt, %select_n3A_339, %lt3A_345 : i32
          %ne3A_347 = arith.xori %lt3A_344, %lt3A_346 : i1
          %and3A_348 = arith.andi %ne3A_347, %ne3A_342 : i1
          %add3A_349 = arith.addi %rem3A_340, %select_n3A_339 : i32
          %select_n3A_350 = arith.select %and3A_348, %add3A_349, %rem3A_340 : i32
          %mul3A_351 = arith.constant 64 : i32
          %mul3A_352 = arith.muli %select_n3A_350, %mul3A_351 : i32
          %dma_start3A_353 = arith.constant 2 : i32
          %dma_start3A_354 = arith.constant 0 : i32
          %dma_start3A_355 = arith.constant 0 : i32
          %dma_start3A_356 = tpu.memref_slice %arg10[%dma_start3A_353, %dma_start3A_354, %dma_start3A_355] : memref<4x64x128xf32, #tpu.memory_space<vmem>> -> memref<1x64x128xf32, #tpu.memory_space<vmem>>
          %dma_start3A_357 = tpu.memref_squeeze %dma_start3A_356 : memref<1x64x128xf32, #tpu.memory_space<vmem>> -> memref<64x128xf32, #tpu.memory_space<vmem>>
          %dma_start3A_358 = tpu.memref_slice %arg8[%select_n3A_334, %mul3A_352] : memref<40x128xi32, #tpu.memory_space<vmem>> -> memref<1x64xi32, #tpu.memory_space<vmem>>
          %dma_start3A_359 = tpu.memref_squeeze %dma_start3A_358 : memref<1x64xi32, #tpu.memory_space<vmem>> -> memref<64xi32, #tpu.memory_space<vmem>>
          %dma_start3A_360 = arith.constant 0 : i32
          %dma_start3A_361 = arith.constant 0 : i32
          %dma_start3A_362 = tpu.memref_slice %arg2[%dma_start3A_360, %dma_start3A_361] : memref<80000x128xf32, #tpu.memory_space<hbm>> -> memref<80000x128xf32, #tpu.memory_space<hbm>>
          tpu.enqueue_indirect_dma source(%dma_start3A_362 : memref<80000x128xf32, #tpu.memory_space<hbm>>) target(%dma_start3A_357 : memref<64x128xf32, #tpu.memory_space<vmem>>) offsets(%dma_start3A_359 : memref<64xi32, #tpu.memory_space<vmem>>) semaphore(%arg15 : memref<!tpu.dma_semaphore, #tpu.memory_space<semaphore_mem>>)
        } else {
        }
        %mul3A_122 = arith.constant 4 : i32
        %mul3A_123 = arith.muli %scan3A_66, %mul3A_122 : i32
        %add3A_124 = arith.constant 1 : i32
        %add3A_125 = arith.addi %mul3A_123, %add3A_124 : i32
        %jit3A_126 = arith.constant 2 : i32
        %div3A_127 = arith.divsi %add3A_125, %jit3A_126 : i32
        %sign3A_128 = arith.constant 0 : i32
        %sign3A_129 = arith.cmpi sgt, %add3A_125, %sign3A_128 : i32
        %sign3A_130 = arith.extui %sign3A_129 : i1 to i32
        %sign3A_131 = arith.constant 0 : i32
        %sign3A_132 = arith.cmpi slt, %add3A_125, %sign3A_131 : i32
        %sign3A_133 = arith.extui %sign3A_132 : i1 to i32
        %sign3A_134 = arith.subi %sign3A_130, %sign3A_133 : i32
        %sign3A_135 = arith.constant 0 : i32
        %sign3A_136 = arith.cmpi sgt, %jit3A_126, %sign3A_135 : i32
        %sign3A_137 = arith.extui %sign3A_136 : i1 to i32
        %sign3A_138 = arith.constant 0 : i32
        %sign3A_139 = arith.cmpi slt, %jit3A_126, %sign3A_138 : i32
        %sign3A_140 = arith.extui %sign3A_139 : i1 to i32
        %sign3A_141 = arith.subi %sign3A_137, %sign3A_140 : i32
        %ne3A_142 = arith.cmpi ne, %sign3A_134, %sign3A_141 : i32
        %rem3A_143 = arith.remsi %add3A_125, %jit3A_126 : i32
        %ne3A_144 = arith.constant 0 : i32
        %ne3A_145 = arith.cmpi ne, %rem3A_143, %ne3A_144 : i32
        %and3A_146 = arith.andi %ne3A_142, %ne3A_145 : i1
        %sub3A_147 = arith.constant 1 : i32
        %sub3A_148 = arith.subi %div3A_127, %sub3A_147 : i32
        %select_n3A_149 = arith.select %and3A_146, %sub3A_148, %div3A_127 : i32
        %jit3A_150 = arith.constant 2 : i32
        %eq3A_151 = arith.constant 0 : i32
        %eq3A_152 = arith.cmpi eq, %jit3A_150, %eq3A_151 : i32
        %jit3A_153 = arith.constant 1 : i32
        %select_n3A_154 = arith.select %eq3A_152, %jit3A_153, %jit3A_150 : i32
        %rem3A_155 = arith.remsi %add3A_125, %select_n3A_154 : i32
        %ne3A_156 = arith.constant 0 : i32
        %ne3A_157 = arith.cmpi ne, %rem3A_155, %ne3A_156 : i32
        %lt3A_158 = arith.constant 0 : i32
        %lt3A_159 = arith.cmpi slt, %rem3A_155, %lt3A_158 : i32
        %lt3A_160 = arith.constant 0 : i32
        %lt3A_161 = arith.cmpi slt, %select_n3A_154, %lt3A_160 : i32
        %ne3A_162 = arith.xori %lt3A_159, %lt3A_161 : i1
        %and3A_163 = arith.andi %ne3A_162, %ne3A_157 : i1
        %add3A_164 = arith.addi %rem3A_155, %select_n3A_154 : i32
        %select_n3A_165 = arith.select %and3A_163, %add3A_164, %rem3A_155 : i32
        %mul3A_166 = arith.constant 64 : i32
        %mul3A_167 = arith.muli %select_n3A_165, %mul3A_166 : i32
        %dma_wait3A_168 = arith.constant 1 : i32
        %dma_wait3A_169 = arith.constant 0 : i32
        %dma_wait3A_170 = arith.constant 0 : i32
        %dma_wait3A_171 = tpu.memref_slice %arg10[%dma_wait3A_168, %dma_wait3A_169, %dma_wait3A_170] : memref<4x64x128xf32, #tpu.memory_space<vmem>> -> memref<1x64x128xf32, #tpu.memory_space<vmem>>
        %dma_wait3A_172 = tpu.memref_squeeze %dma_wait3A_171 : memref<1x64x128xf32, #tpu.memory_space<vmem>> -> memref<64x128xf32, #tpu.memory_space<vmem>>
        %dma_wait3A_173 = tpu.memref_slice %arg8[%select_n3A_149, %mul3A_167] : memref<40x128xi32, #tpu.memory_space<vmem>> -> memref<1x64xi32, #tpu.memory_space<vmem>>
        %dma_wait3A_174 = tpu.memref_squeeze %dma_wait3A_173 : memref<1x64xi32, #tpu.memory_space<vmem>> -> memref<64xi32, #tpu.memory_space<vmem>>
        %dma_wait3A_175 = arith.constant 0 : i32
        %dma_wait3A_176 = arith.constant 0 : i32
        %dma_wait3A_177 = tpu.memref_slice %arg2[%dma_wait3A_175, %dma_wait3A_176] : memref<80000x128xf32, #tpu.memory_space<hbm>> -> memref<80000x128xf32, #tpu.memory_space<hbm>>
        tpu.wait_indirect_dma semaphore(%arg14 : memref<!tpu.dma_semaphore, #tpu.memory_space<semaphore_mem>>) src(%dma_wait3A_177 : memref<80000x128xf32, #tpu.memory_space<hbm>>) dst(%dma_wait3A_172 : memref<64x128xf32, #tpu.memory_space<vmem>>)
        %add3A_178 = arith.constant 2 : i32
        %add3A_179 = arith.addi %add3A_125, %add3A_178 : i32
        %lt3A_180 = arith.constant 80 : i32
        %lt3A_181 = arith.cmpi slt, %add3A_179, %lt3A_180 : i32
        %convert_element_type3A_182 = arith.extui %lt3A_181 : i1 to i32
        %cond3A_183 = arith.constant 0 : i32
        %cond3A_184 = arith.cmpi ne, %convert_element_type3A_182, %cond3A_183 : i32
        scf.if %cond3A_184 {
          %jit3A_311 = arith.constant 2 : i32
          %div3A_312 = arith.divsi %add3A_179, %jit3A_311 : i32
          %sign3A_313 = arith.constant 0 : i32
          %sign3A_314 = arith.cmpi sgt, %add3A_179, %sign3A_313 : i32
          %sign3A_315 = arith.extui %sign3A_314 : i1 to i32
          %sign3A_316 = arith.constant 0 : i32
          %sign3A_317 = arith.cmpi slt, %add3A_179, %sign3A_316 : i32
          %sign3A_318 = arith.extui %sign3A_317 : i1 to i32
          %sign3A_319 = arith.subi %sign3A_315, %sign3A_318 : i32
          %sign3A_320 = arith.constant 0 : i32
          %sign3A_321 = arith.cmpi sgt, %jit3A_311, %sign3A_320 : i32
          %sign3A_322 = arith.extui %sign3A_321 : i1 to i32
          %sign3A_323 = arith.constant 0 : i32
          %sign3A_324 = arith.cmpi slt, %jit3A_311, %sign3A_323 : i32
          %sign3A_325 = arith.extui %sign3A_324 : i1 to i32
          %sign3A_326 = arith.subi %sign3A_322, %sign3A_325 : i32
          %ne3A_327 = arith.cmpi ne, %sign3A_319, %sign3A_326 : i32
          %rem3A_328 = arith.remsi %add3A_179, %jit3A_311 : i32
          %ne3A_329 = arith.constant 0 : i32
          %ne3A_330 = arith.cmpi ne, %rem3A_328, %ne3A_329 : i32
          %and3A_331 = arith.andi %ne3A_327, %ne3A_330 : i1
          %sub3A_332 = arith.constant 1 : i32
          %sub3A_333 = arith.subi %div3A_312, %sub3A_332 : i32
          %select_n3A_334 = arith.select %and3A_331, %sub3A_333, %div3A_312 : i32
          %jit3A_335 = arith.constant 2 : i32
          %eq3A_336 = arith.constant 0 : i32
          %eq3A_337 = arith.cmpi eq, %jit3A_335, %eq3A_336 : i32
          %jit3A_338 = arith.constant 1 : i32
          %select_n3A_339 = arith.select %eq3A_337, %jit3A_338, %jit3A_335 : i32
          %rem3A_340 = arith.remsi %add3A_179, %select_n3A_339 : i32
          %ne3A_341 = arith.constant 0 : i32
          %ne3A_342 = arith.cmpi ne, %rem3A_340, %ne3A_341 : i32
          %lt3A_343 = arith.constant 0 : i32
          %lt3A_344 = arith.cmpi slt, %rem3A_340, %lt3A_343 : i32
          %lt3A_345 = arith.constant 0 : i32
          %lt3A_346 = arith.cmpi slt, %select_n3A_339, %lt3A_345 : i32
          %ne3A_347 = arith.xori %lt3A_344, %lt3A_346 : i1
          %and3A_348 = arith.andi %ne3A_347, %ne3A_342 : i1
          %add3A_349 = arith.addi %rem3A_340, %select_n3A_339 : i32
          %select_n3A_350 = arith.select %and3A_348, %add3A_349, %rem3A_340 : i32
          %mul3A_351 = arith.constant 64 : i32
          %mul3A_352 = arith.muli %select_n3A_350, %mul3A_351 : i32
          %dma_start3A_353 = arith.constant 3 : i32
          %dma_start3A_354 = arith.constant 0 : i32
          %dma_start3A_355 = arith.constant 0 : i32
          %dma_start3A_356 = tpu.memref_slice %arg10[%dma_start3A_353, %dma_start3A_354, %dma_start3A_355] : memref<4x64x128xf32, #tpu.memory_space<vmem>> -> memref<1x64x128xf32, #tpu.memory_space<vmem>>
          %dma_start3A_357 = tpu.memref_squeeze %dma_start3A_356 : memref<1x64x128xf32, #tpu.memory_space<vmem>> -> memref<64x128xf32, #tpu.memory_space<vmem>>
          %dma_start3A_358 = tpu.memref_slice %arg8[%select_n3A_334, %mul3A_352] : memref<40x128xi32, #tpu.memory_space<vmem>> -> memref<1x64xi32, #tpu.memory_space<vmem>>
          %dma_start3A_359 = tpu.memref_squeeze %dma_start3A_358 : memref<1x64xi32, #tpu.memory_space<vmem>> -> memref<64xi32, #tpu.memory_space<vmem>>
          %dma_start3A_360 = arith.constant 0 : i32
          %dma_start3A_361 = arith.constant 0 : i32
          %dma_start3A_362 = tpu.memref_slice %arg2[%dma_start3A_360, %dma_start3A_361] : memref<80000x128xf32, #tpu.memory_space<hbm>> -> memref<80000x128xf32, #tpu.memory_space<hbm>>
          tpu.enqueue_indirect_dma source(%dma_start3A_362 : memref<80000x128xf32, #tpu.memory_space<hbm>>) target(%dma_start3A_357 : memref<64x128xf32, #tpu.memory_space<vmem>>) offsets(%dma_start3A_359 : memref<64xi32, #tpu.memory_space<vmem>>) semaphore(%arg16 : memref<!tpu.dma_semaphore, #tpu.memory_space<semaphore_mem>>)
        } else {
        }
        %mul3A_185 = arith.constant 4 : i32
        %mul3A_186 = arith.muli %scan3A_66, %mul3A_185 : i32
        %add3A_187 = arith.constant 2 : i32
        %add3A_188 = arith.addi %mul3A_186, %add3A_187 : i32
        %jit3A_189 = arith.constant 2 : i32
        %div3A_190 = arith.divsi %add3A_188, %jit3A_189 : i32
        %sign3A_191 = arith.constant 0 : i32
        %sign3A_192 = arith.cmpi sgt, %add3A_188, %sign3A_191 : i32
        %sign3A_193 = arith.extui %sign3A_192 : i1 to i32
        %sign3A_194 = arith.constant 0 : i32
        %sign3A_195 = arith.cmpi slt, %add3A_188, %sign3A_194 : i32
        %sign3A_196 = arith.extui %sign3A_195 : i1 to i32
        %sign3A_197 = arith.subi %sign3A_193, %sign3A_196 : i32
        %sign3A_198 = arith.constant 0 : i32
        %sign3A_199 = arith.cmpi sgt, %jit3A_189, %sign3A_198 : i32
        %sign3A_200 = arith.extui %sign3A_199 : i1 to i32
        %sign3A_201 = arith.constant 0 : i32
        %sign3A_202 = arith.cmpi slt, %jit3A_189, %sign3A_201 : i32
        %sign3A_203 = arith.extui %sign3A_202 : i1 to i32
        %sign3A_204 = arith.subi %sign3A_200, %sign3A_203 : i32
        %ne3A_205 = arith.cmpi ne, %sign3A_197, %sign3A_204 : i32
        %rem3A_206 = arith.remsi %add3A_188, %jit3A_189 : i32
        %ne3A_207 = arith.constant 0 : i32
        %ne3A_208 = arith.cmpi ne, %rem3A_206, %ne3A_207 : i32
        %and3A_209 = arith.andi %ne3A_205, %ne3A_208 : i1
        %sub3A_210 = arith.constant 1 : i32
        %sub3A_211 = arith.subi %div3A_190, %sub3A_210 : i32
        %select_n3A_212 = arith.select %and3A_209, %sub3A_211, %div3A_190 : i32
        %jit3A_213 = arith.constant 2 : i32
        %eq3A_214 = arith.constant 0 : i32
        %eq3A_215 = arith.cmpi eq, %jit3A_213, %eq3A_214 : i32
        %jit3A_216 = arith.constant 1 : i32
        %select_n3A_217 = arith.select %eq3A_215, %jit3A_216, %jit3A_213 : i32
        %rem3A_218 = arith.remsi %add3A_188, %select_n3A_217 : i32
        %ne3A_219 = arith.constant 0 : i32
        %ne3A_220 = arith.cmpi ne, %rem3A_218, %ne3A_219 : i32
        %lt3A_221 = arith.constant 0 : i32
        %lt3A_222 = arith.cmpi slt, %rem3A_218, %lt3A_221 : i32
        %lt3A_223 = arith.constant 0 : i32
        %lt3A_224 = arith.cmpi slt, %select_n3A_217, %lt3A_223 : i32
        %ne3A_225 = arith.xori %lt3A_222, %lt3A_224 : i1
        %and3A_226 = arith.andi %ne3A_225, %ne3A_220 : i1
        %add3A_227 = arith.addi %rem3A_218, %select_n3A_217 : i32
        %select_n3A_228 = arith.select %and3A_226, %add3A_227, %rem3A_218 : i32
        %mul3A_229 = arith.constant 64 : i32
        %mul3A_230 = arith.muli %select_n3A_228, %mul3A_229 : i32
        %dma_wait3A_231 = arith.constant 2 : i32
        %dma_wait3A_232 = arith.constant 0 : i32
        %dma_wait3A_233 = arith.constant 0 : i32
        %dma_wait3A_234 = tpu.memref_slice %arg10[%dma_wait3A_231, %dma_wait3A_232, %dma_wait3A_233] : memref<4x64x128xf32, #tpu.memory_space<vmem>> -> memref<1x64x128xf32, #tpu.memory_space<vmem>>
        %dma_wait3A_235 = tpu.memref_squeeze %dma_wait3A_234 : memref<1x64x128xf32, #tpu.memory_space<vmem>> -> memref<64x128xf32, #tpu.memory_space<vmem>>
        %dma_wait3A_236 = tpu.memref_slice %arg8[%select_n3A_212, %mul3A_230] : memref<40x128xi32, #tpu.memory_space<vmem>> -> memref<1x64xi32, #tpu.memory_space<vmem>>
        %dma_wait3A_237 = tpu.memref_squeeze %dma_wait3A_236 : memref<1x64xi32, #tpu.memory_space<vmem>> -> memref<64xi32, #tpu.memory_space<vmem>>
        %dma_wait3A_238 = arith.constant 0 : i32
        %dma_wait3A_239 = arith.constant 0 : i32
        %dma_wait3A_240 = tpu.memref_slice %arg2[%dma_wait3A_238, %dma_wait3A_239] : memref<80000x128xf32, #tpu.memory_space<hbm>> -> memref<80000x128xf32, #tpu.memory_space<hbm>>
        tpu.wait_indirect_dma semaphore(%arg15 : memref<!tpu.dma_semaphore, #tpu.memory_space<semaphore_mem>>) src(%dma_wait3A_240 : memref<80000x128xf32, #tpu.memory_space<hbm>>) dst(%dma_wait3A_235 : memref<64x128xf32, #tpu.memory_space<vmem>>)
        %add3A_241 = arith.constant 2 : i32
        %add3A_242 = arith.addi %add3A_188, %add3A_241 : i32
        %lt3A_243 = arith.constant 80 : i32
        %lt3A_244 = arith.cmpi slt, %add3A_242, %lt3A_243 : i32
        %convert_element_type3A_245 = arith.extui %lt3A_244 : i1 to i32
        %cond3A_246 = arith.constant 0 : i32
        %cond3A_247 = arith.cmpi ne, %convert_element_type3A_245, %cond3A_246 : i32
        scf.if %cond3A_247 {
          %jit3A_311 = arith.constant 2 : i32
          %div3A_312 = arith.divsi %add3A_242, %jit3A_311 : i32
          %sign3A_313 = arith.constant 0 : i32
          %sign3A_314 = arith.cmpi sgt, %add3A_242, %sign3A_313 : i32
          %sign3A_315 = arith.extui %sign3A_314 : i1 to i32
          %sign3A_316 = arith.constant 0 : i32
          %sign3A_317 = arith.cmpi slt, %add3A_242, %sign3A_316 : i32
          %sign3A_318 = arith.extui %sign3A_317 : i1 to i32
          %sign3A_319 = arith.subi %sign3A_315, %sign3A_318 : i32
          %sign3A_320 = arith.constant 0 : i32
          %sign3A_321 = arith.cmpi sgt, %jit3A_311, %sign3A_320 : i32
          %sign3A_322 = arith.extui %sign3A_321 : i1 to i32
          %sign3A_323 = arith.constant 0 : i32
          %sign3A_324 = arith.cmpi slt, %jit3A_311, %sign3A_323 : i32
          %sign3A_325 = arith.extui %sign3A_324 : i1 to i32
          %sign3A_326 = arith.subi %sign3A_322, %sign3A_325 : i32
          %ne3A_327 = arith.cmpi ne, %sign3A_319, %sign3A_326 : i32
          %rem3A_328 = arith.remsi %add3A_242, %jit3A_311 : i32
          %ne3A_329 = arith.constant 0 : i32
          %ne3A_330 = arith.cmpi ne, %rem3A_328, %ne3A_329 : i32
          %and3A_331 = arith.andi %ne3A_327, %ne3A_330 : i1
          %sub3A_332 = arith.constant 1 : i32
          %sub3A_333 = arith.subi %div3A_312, %sub3A_332 : i32
          %select_n3A_334 = arith.select %and3A_331, %sub3A_333, %div3A_312 : i32
          %jit3A_335 = arith.constant 2 : i32
          %eq3A_336 = arith.constant 0 : i32
          %eq3A_337 = arith.cmpi eq, %jit3A_335, %eq3A_336 : i32
          %jit3A_338 = arith.constant 1 : i32
          %select_n3A_339 = arith.select %eq3A_337, %jit3A_338, %jit3A_335 : i32
          %rem3A_340 = arith.remsi %add3A_242, %select_n3A_339 : i32
          %ne3A_341 = arith.constant 0 : i32
          %ne3A_342 = arith.cmpi ne, %rem3A_340, %ne3A_341 : i32
          %lt3A_343 = arith.constant 0 : i32
          %lt3A_344 = arith.cmpi slt, %rem3A_340, %lt3A_343 : i32
          %lt3A_345 = arith.constant 0 : i32
          %lt3A_346 = arith.cmpi slt, %select_n3A_339, %lt3A_345 : i32
          %ne3A_347 = arith.xori %lt3A_344, %lt3A_346 : i1
          %and3A_348 = arith.andi %ne3A_347, %ne3A_342 : i1
          %add3A_349 = arith.addi %rem3A_340, %select_n3A_339 : i32
          %select_n3A_350 = arith.select %and3A_348, %add3A_349, %rem3A_340 : i32
          %mul3A_351 = arith.constant 64 : i32
          %mul3A_352 = arith.muli %select_n3A_350, %mul3A_351 : i32
          %dma_start3A_353 = arith.constant 0 : i32
          %dma_start3A_354 = arith.constant 0 : i32
          %dma_start3A_355 = arith.constant 0 : i32
          %dma_start3A_356 = tpu.memref_slice %arg10[%dma_start3A_353, %dma_start3A_354, %dma_start3A_355] : memref<4x64x128xf32, #tpu.memory_space<vmem>> -> memref<1x64x128xf32, #tpu.memory_space<vmem>>
          %dma_start3A_357 = tpu.memref_squeeze %dma_start3A_356 : memref<1x64x128xf32, #tpu.memory_space<vmem>> -> memref<64x128xf32, #tpu.memory_space<vmem>>
          %dma_start3A_358 = tpu.memref_slice %arg8[%select_n3A_334, %mul3A_352] : memref<40x128xi32, #tpu.memory_space<vmem>> -> memref<1x64xi32, #tpu.memory_space<vmem>>
          %dma_start3A_359 = tpu.memref_squeeze %dma_start3A_358 : memref<1x64xi32, #tpu.memory_space<vmem>> -> memref<64xi32, #tpu.memory_space<vmem>>
          %dma_start3A_360 = arith.constant 0 : i32
          %dma_start3A_361 = arith.constant 0 : i32
          %dma_start3A_362 = tpu.memref_slice %arg2[%dma_start3A_360, %dma_start3A_361] : memref<80000x128xf32, #tpu.memory_space<hbm>> -> memref<80000x128xf32, #tpu.memory_space<hbm>>
          tpu.enqueue_indirect_dma source(%dma_start3A_362 : memref<80000x128xf32, #tpu.memory_space<hbm>>) target(%dma_start3A_357 : memref<64x128xf32, #tpu.memory_space<vmem>>) offsets(%dma_start3A_359 : memref<64xi32, #tpu.memory_space<vmem>>) semaphore(%arg13 : memref<!tpu.dma_semaphore, #tpu.memory_space<semaphore_mem>>)
        } else {
        }
        %mul3A_248 = arith.constant 4 : i32
        %mul3A_249 = arith.muli %scan3A_66, %mul3A_248 : i32
        %add3A_250 = arith.constant 3 : i32
        %add3A_251 = arith.addi %mul3A_249, %add3A_250 : i32
        %jit3A_252 = arith.constant 2 : i32
        %div3A_253 = arith.divsi %add3A_251, %jit3A_252 : i32
        %sign3A_254 = arith.constant 0 : i32
        %sign3A_255 = arith.cmpi sgt, %add3A_251, %sign3A_254 : i32
        %sign3A_256 = arith.extui %sign3A_255 : i1 to i32
        %sign3A_257 = arith.constant 0 : i32
        %sign3A_258 = arith.cmpi slt, %add3A_251, %sign3A_257 : i32
        %sign3A_259 = arith.extui %sign3A_258 : i1 to i32
        %sign3A_260 = arith.subi %sign3A_256, %sign3A_259 : i32
        %sign3A_261 = arith.constant 0 : i32
        %sign3A_262 = arith.cmpi sgt, %jit3A_252, %sign3A_261 : i32
        %sign3A_263 = arith.extui %sign3A_262 : i1 to i32
        %sign3A_264 = arith.constant 0 : i32
        %sign3A_265 = arith.cmpi slt, %jit3A_252, %sign3A_264 : i32
        %sign3A_266 = arith.extui %sign3A_265 : i1 to i32
        %sign3A_267 = arith.subi %sign3A_263, %sign3A_266 : i32
        %ne3A_268 = arith.cmpi ne, %sign3A_260, %sign3A_267 : i32
        %rem3A_269 = arith.remsi %add3A_251, %jit3A_252 : i32
        %ne3A_270 = arith.constant 0 : i32
        %ne3A_271 = arith.cmpi ne, %rem3A_269, %ne3A_270 : i32
        %and3A_272 = arith.andi %ne3A_268, %ne3A_271 : i1
        %sub3A_273 = arith.constant 1 : i32
        %sub3A_274 = arith.subi %div3A_253, %sub3A_273 : i32
        %select_n3A_275 = arith.select %and3A_272, %sub3A_274, %div3A_253 : i32
        %jit3A_276 = arith.constant 2 : i32
        %eq3A_277 = arith.constant 0 : i32
        %eq3A_278 = arith.cmpi eq, %jit3A_276, %eq3A_277 : i32
        %jit3A_279 = arith.constant 1 : i32
        %select_n3A_280 = arith.select %eq3A_278, %jit3A_279, %jit3A_276 : i32
        %rem3A_281 = arith.remsi %add3A_251, %select_n3A_280 : i32
        %ne3A_282 = arith.constant 0 : i32
        %ne3A_283 = arith.cmpi ne, %rem3A_281, %ne3A_282 : i32
        %lt3A_284 = arith.constant 0 : i32
        %lt3A_285 = arith.cmpi slt, %rem3A_281, %lt3A_284 : i32
        %lt3A_286 = arith.constant 0 : i32
        %lt3A_287 = arith.cmpi slt, %select_n3A_280, %lt3A_286 : i32
        %ne3A_288 = arith.xori %lt3A_285, %lt3A_287 : i1
        %and3A_289 = arith.andi %ne3A_288, %ne3A_283 : i1
        %add3A_290 = arith.addi %rem3A_281, %select_n3A_280 : i32
        %select_n3A_291 = arith.select %and3A_289, %add3A_290, %rem3A_281 : i32
        %mul3A_292 = arith.constant 64 : i32
        %mul3A_293 = arith.muli %select_n3A_291, %mul3A_292 : i32
        %dma_wait3A_294 = arith.constant 3 : i32
        %dma_wait3A_295 = arith.constant 0 : i32
        %dma_wait3A_296 = arith.constant 0 : i32
        %dma_wait3A_297 = tpu.memref_slice %arg10[%dma_wait3A_294, %dma_wait3A_295, %dma_wait3A_296] : memref<4x64x128xf32, #tpu.memory_space<vmem>> -> memref<1x64x128xf32, #tpu.memory_space<vmem>>
        %dma_wait3A_298 = tpu.memref_squeeze %dma_wait3A_297 : memref<1x64x128xf32, #tpu.memory_space<vmem>> -> memref<64x128xf32, #tpu.memory_space<vmem>>
        %dma_wait3A_299 = tpu.memref_slice %arg8[%select_n3A_275, %mul3A_293] : memref<40x128xi32, #tpu.memory_space<vmem>> -> memref<1x64xi32, #tpu.memory_space<vmem>>
        %dma_wait3A_300 = tpu.memref_squeeze %dma_wait3A_299 : memref<1x64xi32, #tpu.memory_space<vmem>> -> memref<64xi32, #tpu.memory_space<vmem>>
        %dma_wait3A_301 = arith.constant 0 : i32
        %dma_wait3A_302 = arith.constant 0 : i32
        %dma_wait3A_303 = tpu.memref_slice %arg2[%dma_wait3A_301, %dma_wait3A_302] : memref<80000x128xf32, #tpu.memory_space<hbm>> -> memref<80000x128xf32, #tpu.memory_space<hbm>>
        tpu.wait_indirect_dma semaphore(%arg16 : memref<!tpu.dma_semaphore, #tpu.memory_space<semaphore_mem>>) src(%dma_wait3A_303 : memref<80000x128xf32, #tpu.memory_space<hbm>>) dst(%dma_wait3A_298 : memref<64x128xf32, #tpu.memory_space<vmem>>)
        %add3A_304 = arith.constant 2 : i32
        %add3A_305 = arith.addi %add3A_251, %add3A_304 : i32
        %lt3A_306 = arith.constant 80 : i32
        %lt3A_307 = arith.cmpi slt, %add3A_305, %lt3A_306 : i32
        %convert_element_type3A_308 = arith.extui %lt3A_307 : i1 to i32
        %cond3A_309 = arith.constant 0 : i32
        %cond3A_310 = arith.cmpi ne, %convert_element_type3A_308, %cond3A_309 : i32
        scf.if %cond3A_310 {
          %jit3A_311 = arith.constant 2 : i32
          %div3A_312 = arith.divsi %add3A_305, %jit3A_311 : i32
          %sign3A_313 = arith.constant 0 : i32
          %sign3A_314 = arith.cmpi sgt, %add3A_305, %sign3A_313 : i32
          %sign3A_315 = arith.extui %sign3A_314 : i1 to i32
          %sign3A_316 = arith.constant 0 : i32
          %sign3A_317 = arith.cmpi slt, %add3A_305, %sign3A_316 : i32
          %sign3A_318 = arith.extui %sign3A_317 : i1 to i32
          %sign3A_319 = arith.subi %sign3A_315, %sign3A_318 : i32
          %sign3A_320 = arith.constant 0 : i32
          %sign3A_321 = arith.cmpi sgt, %jit3A_311, %sign3A_320 : i32
          %sign3A_322 = arith.extui %sign3A_321 : i1 to i32
          %sign3A_323 = arith.constant 0 : i32
          %sign3A_324 = arith.cmpi slt, %jit3A_311, %sign3A_323 : i32
          %sign3A_325 = arith.extui %sign3A_324 : i1 to i32
          %sign3A_326 = arith.subi %sign3A_322, %sign3A_325 : i32
          %ne3A_327 = arith.cmpi ne, %sign3A_319, %sign3A_326 : i32
          %rem3A_328 = arith.remsi %add3A_305, %jit3A_311 : i32
          %ne3A_329 = arith.constant 0 : i32
          %ne3A_330 = arith.cmpi ne, %rem3A_328, %ne3A_329 : i32
          %and3A_331 = arith.andi %ne3A_327, %ne3A_330 : i1
          %sub3A_332 = arith.constant 1 : i32
          %sub3A_333 = arith.subi %div3A_312, %sub3A_332 : i32
          %select_n3A_334 = arith.select %and3A_331, %sub3A_333, %div3A_312 : i32
          %jit3A_335 = arith.constant 2 : i32
          %eq3A_336 = arith.constant 0 : i32
          %eq3A_337 = arith.cmpi eq, %jit3A_335, %eq3A_336 : i32
          %jit3A_338 = arith.constant 1 : i32
          %select_n3A_339 = arith.select %eq3A_337, %jit3A_338, %jit3A_335 : i32
          %rem3A_340 = arith.remsi %add3A_305, %select_n3A_339 : i32
          %ne3A_341 = arith.constant 0 : i32
          %ne3A_342 = arith.cmpi ne, %rem3A_340, %ne3A_341 : i32
          %lt3A_343 = arith.constant 0 : i32
          %lt3A_344 = arith.cmpi slt, %rem3A_340, %lt3A_343 : i32
          %lt3A_345 = arith.constant 0 : i32
          %lt3A_346 = arith.cmpi slt, %select_n3A_339, %lt3A_345 : i32
          %ne3A_347 = arith.xori %lt3A_344, %lt3A_346 : i1
          %and3A_348 = arith.andi %ne3A_347, %ne3A_342 : i1
          %add3A_349 = arith.addi %rem3A_340, %select_n3A_339 : i32
          %select_n3A_350 = arith.select %and3A_348, %add3A_349, %rem3A_340 : i32
          %mul3A_351 = arith.constant 64 : i32
          %mul3A_352 = arith.muli %select_n3A_350, %mul3A_351 : i32
          %dma_start3A_353 = arith.constant 1 : i32
          %dma_start3A_354 = arith.constant 0 : i32
          %dma_start3A_355 = arith.constant 0 : i32
          %dma_start3A_356 = tpu.memref_slice %arg10[%dma_start3A_353, %dma_start3A_354, %dma_start3A_355] : memref<4x64x128xf32, #tpu.memory_space<vmem>> -> memref<1x64x128xf32, #tpu.memory_space<vmem>>
          %dma_start3A_357 = tpu.memref_squeeze %dma_start3A_356 : memref<1x64x128xf32, #tpu.memory_space<vmem>> -> memref<64x128xf32, #tpu.memory_space<vmem>>
          %dma_start3A_358 = tpu.memref_slice %arg8[%select_n3A_334, %mul3A_352] : memref<40x128xi32, #tpu.memory_space<vmem>> -> memref<1x64xi32, #tpu.memory_space<vmem>>
          %dma_start3A_359 = tpu.memref_squeeze %dma_start3A_358 : memref<1x64xi32, #tpu.memory_space<vmem>> -> memref<64xi32, #tpu.memory_space<vmem>>
          %dma_start3A_360 = arith.constant 0 : i32
          %dma_start3A_361 = arith.constant 0 : i32
          %dma_start3A_362 = tpu.memref_slice %arg2[%dma_start3A_360, %dma_start3A_361] : memref<80000x128xf32, #tpu.memory_space<hbm>> -> memref<80000x128xf32, #tpu.memory_space<hbm>>
          tpu.enqueue_indirect_dma source(%dma_start3A_362 : memref<80000x128xf32, #tpu.memory_space<hbm>>) target(%dma_start3A_357 : memref<64x128xf32, #tpu.memory_space<vmem>>) offsets(%dma_start3A_359 : memref<64xi32, #tpu.memory_space<vmem>>) semaphore(%arg14 : memref<!tpu.dma_semaphore, #tpu.memory_space<semaphore_mem>>)
        } else {
        }
      }
      %scan3A_65 = arith.constant 20 : i32
    } else {
    }
    %barrier3A_50 = arith.constant 0 : index
    tpu.barrier barrier_id(%barrier3A_50)
    %lt3A = arith.constant 15 : i32
    %lt3A_51 = arith.cmpi slt, %arg1, %lt3A : i32
    %convert_element_type3A_52 = arith.extui %lt3A_51 : i1 to i32
    %cond3A_53 = arith.constant 0 : i32
    %cond3A_54 = arith.cmpi ne, %convert_element_type3A_52, %cond3A_53 : i32
    scf.if %cond3A_54 {
      "tpu.region"() ({
        %run_scoped3A = tpu.sem_alloc : memref<!tpu.dma_semaphore, #tpu.memory_space<semaphore_mem>>
        %dma_start3A_61 = arith.constant 0 : i32
        %dma_start3A_62 = tpu.memref_slice %arg7[%arg0, %mul3A_2, %dma_start3A_61] : memref<2x10000x128xf32, #tpu.memory_space<hbm>> -> memref<1x632x128xf32, #tpu.memory_space<hbm>>
        %dma_start3A_63 = tpu.memref_squeeze %dma_start3A_62 : memref<1x632x128xf32, #tpu.memory_space<hbm>> -> memref<632x128xf32, #tpu.memory_space<hbm>>
        %dma_start3A_64 = arith.constant 0 : i32
        %dma_start3A_65 = tpu.memref_slice %arg11[%mul3A_2, %dma_start3A_64] : memref<10112x128xf32, #tpu.memory_space<vmem_shared>> -> memref<632x128xf32, #tpu.memory_space<vmem_shared>>
        tpu.enqueue_dma source(%dma_start3A_65 : memref<632x128xf32, #tpu.memory_space<vmem_shared>>) target(%dma_start3A_63 : memref<632x128xf32, #tpu.memory_space<hbm>>) target_semaphore(%run_scoped3A : memref<!tpu.dma_semaphore, #tpu.memory_space<semaphore_mem>>)
        %dma_wait3A_66 = arith.constant 0 : i32
        %dma_wait3A_67 = tpu.memref_slice %arg7[%arg0, %mul3A_2, %dma_wait3A_66] : memref<2x10000x128xf32, #tpu.memory_space<hbm>> -> memref<1x632x128xf32, #tpu.memory_space<hbm>>
        %dma_wait3A_68 = tpu.memref_squeeze %dma_wait3A_67 : memref<1x632x128xf32, #tpu.memory_space<hbm>> -> memref<632x128xf32, #tpu.memory_space<hbm>>
        %dma_wait3A_69 = arith.constant 0 : i32
        %dma_wait3A_70 = tpu.memref_slice %arg11[%mul3A_2, %dma_wait3A_69] : memref<10112x128xf32, #tpu.memory_space<vmem_shared>> -> memref<632x128xf32, #tpu.memory_space<vmem_shared>>
        tpu.wait_dma2 semaphore(%run_scoped3A : memref<!tpu.dma_semaphore, #tpu.memory_space<semaphore_mem>>) src(%dma_wait3A_70 : memref<632x128xf32, #tpu.memory_space<vmem_shared>>) dst(%dma_wait3A_68 : memref<632x128xf32, #tpu.memory_space<hbm>>)
        tpu.yield
      }) : () -> ()
    } else {
    }
    %eq3A_55 = arith.constant 15 : i32
    %eq3A_56 = arith.cmpi eq, %arg1, %eq3A_55 : i32
    %convert_element_type3A_57 = arith.extui %eq3A_56 : i1 to i32
    %cond3A_58 = arith.constant 0 : i32
    %cond3A_59 = arith.cmpi ne, %convert_element_type3A_57, %cond3A_58 : i32
    scf.if %cond3A_59 {
      "tpu.region"() ({
        %run_scoped3A = tpu.sem_alloc : memref<!tpu.dma_semaphore, #tpu.memory_space<semaphore_mem>>
        %dma_start3A_61 = arith.constant 0 : i32
        %dma_start3A_62 = tpu.memref_slice %arg7[%arg0, %mul3A_2, %dma_start3A_61] : memref<2x10000x128xf32, #tpu.memory_space<hbm>> -> memref<1x520x128xf32, #tpu.memory_space<hbm>>
        %dma_start3A_63 = tpu.memref_squeeze %dma_start3A_62 : memref<1x520x128xf32, #tpu.memory_space<hbm>> -> memref<520x128xf32, #tpu.memory_space<hbm>>
        %dma_start3A_64 = arith.constant 0 : i32
        %dma_start3A_65 = tpu.memref_slice %arg11[%mul3A_2, %dma_start3A_64] : memref<10112x128xf32, #tpu.memory_space<vmem_shared>> -> memref<520x128xf32, #tpu.memory_space<vmem_shared>>
        tpu.enqueue_dma source(%dma_start3A_65 : memref<520x128xf32, #tpu.memory_space<vmem_shared>>) target(%dma_start3A_63 : memref<520x128xf32, #tpu.memory_space<hbm>>) target_semaphore(%run_scoped3A : memref<!tpu.dma_semaphore, #tpu.memory_space<semaphore_mem>>)
        %dma_wait3A_66 = arith.constant 0 : i32
        %dma_wait3A_67 = tpu.memref_slice %arg7[%arg0, %mul3A_2, %dma_wait3A_66] : memref<2x10000x128xf32, #tpu.memory_space<hbm>> -> memref<1x520x128xf32, #tpu.memory_space<hbm>>
        %dma_wait3A_68 = tpu.memref_squeeze %dma_wait3A_67 : memref<1x520x128xf32, #tpu.memory_space<hbm>> -> memref<520x128xf32, #tpu.memory_space<hbm>>
        %dma_wait3A_69 = arith.constant 0 : i32
        %dma_wait3A_70 = tpu.memref_slice %arg11[%mul3A_2, %dma_wait3A_69] : memref<10112x128xf32, #tpu.memory_space<vmem_shared>> -> memref<520x128xf32, #tpu.memory_space<vmem_shared>>
        tpu.wait_dma2 semaphore(%run_scoped3A : memref<!tpu.dma_semaphore, #tpu.memory_space<semaphore_mem>>) src(%dma_wait3A_70 : memref<520x128xf32, #tpu.memory_space<vmem_shared>>) dst(%dma_wait3A_68 : memref<520x128xf32, #tpu.memory_space<hbm>>)
        tpu.yield
      }) : () -> ()
    } else {
    }
    %barrier3A_60 = arith.constant 0 : index
    tpu.barrier barrier_id(%barrier3A_60)
    return
  }
}

module attributes {stable_mosaic.version = 14 : i64} {
  func.func @_transform1_body(%arg0: i32, %arg1: memref<1000x128xf32, #tpu.memory_space<vmem>>, %arg2: memref<128x1152xf32, #tpu.memory_space<vmem>>, %arg3: memref<1x128xf32, #tpu.memory_space<vmem>>, %arg4: memref<1000x1024xf32, #tpu.memory_space<vmem>>, %arg5: memref<1000x128xf32, #tpu.memory_space<vmem>>) attributes {dimension_semantics = [#tpu.dimension_semantics<arbitrary>], iteration_bounds = array<i64: 10>, scalar_prefetch = 0 : i64, scratch_operands = 0 : i64, tpu.core_type = #tpu.core_type<tc>, window_params = [{transform_indices = @transform_0, window_bounds = array<i64: 1000, 128>}, {pipeline_mode = #tpu.pipeline_mode<synchronous>, transform_indices = @transform_1, window_bounds = array<i64: 128, 1152>}, {pipeline_mode = #tpu.pipeline_mode<synchronous>, transform_indices = @transform_2, window_bounds = array<i64: 1, 128>}, {transform_indices = @transform_3, window_bounds = array<i64: 1000, 1024>}, {transform_indices = @transform_4, window_bounds = array<i64: 1000, 128>}]} {
    %get3A = arith.constant 0 : index
    %get3A_0 = arith.constant 0 : index
    %get3A_1 = vector.load %arg1[%get3A, %get3A_0] : memref<1000x128xf32, #tpu.memory_space<vmem>>, vector<1000x128xf32>
    %get3A_2 = arith.constant 0 : index
    %get3A_3 = arith.constant 0 : index
    %get3A_4 = vector.load %arg2[%get3A_2, %get3A_3] : memref<128x1152xf32, #tpu.memory_space<vmem>>, vector<128x1152xf32>
    %dot_general3A = arith.constant dense<0.000000e+00> : vector<1000x1152xf32>
    %dot_general3A_5 = tpu.matmul %get3A_1, %get3A_4, %dot_general3A {dimension_numbers = #tpu.dot_dimension_numbers<[1], [0], [0], [1], [0, 0, 1, 1], [], []>, transpose_lhs_hint = false} : vector<1000x128xf32>, vector<128x1152xf32>, vector<1000x1152xf32> -> vector<1000x1152xf32>
    %slice3A = vector.extract_strided_slice %dot_general3A_5 {offsets = [0, 0], sizes = [1000, 1024], strides = [1, 1]} : vector<1000x1152xf32> to vector<1000x1024xf32>
    %swap3A = arith.constant 0 : index
    %swap3A_6 = arith.constant 0 : index
    %swap3A_7 = vector.load %arg4[%swap3A, %swap3A_6] : memref<1000x1024xf32, #tpu.memory_space<vmem>>, vector<1000x1024xf32>
    tpu.vector_store %arg4[%swap3A, %swap3A_6], %slice3A {strides = array<i32>} : memref<1000x1024xf32, #tpu.memory_space<vmem>>, vector<1000x1024xf32>,
    %slice3A_8 = vector.extract_strided_slice %dot_general3A_5 {offsets = [0, 1024], sizes = [1000, 128], strides = [1, 1]} : vector<1000x1152xf32> to vector<1000x128xf32>
    %get3A_9 = arith.constant 0 : index
    %get3A_10 = arith.constant 0 : index
    %get3A_11 = vector.load %arg3[%get3A_9, %get3A_10] : memref<1x128xf32, #tpu.memory_space<vmem>>, vector<1x128xf32>
    %add3A = vector.broadcast %get3A_11 : vector<1x128xf32> to vector<1000x128xf32>
    %add3A_12 = arith.addf %slice3A_8, %add3A : vector<1000x128xf32>
    %swap3A_13 = arith.constant 0 : index
    %swap3A_14 = arith.constant 0 : index
    %swap3A_15 = vector.load %arg5[%swap3A_13, %swap3A_14] : memref<1000x128xf32, #tpu.memory_space<vmem>>, vector<1000x128xf32>
    tpu.vector_store %arg5[%swap3A_13, %swap3A_14], %add3A_12 {strides = array<i32>} : memref<1000x128xf32, #tpu.memory_space<vmem>>, vector<1000x128xf32>,
    return
  }
  func.func @transform_0(%arg0: i32) -> (i32, i32) {
    %c0_i32 = arith.constant 0 : i32
    %c0_i32_0 = arith.constant 0 : i32
    return %arg0, %c0_i32 : i32, i32
  }
  func.func @transform_1(%arg0: i32) -> (i32, i32) {
    %c0_i32 = arith.constant 0 : i32
    %c0_i32_0 = arith.constant 0 : i32
    %c0_i32_1 = arith.constant 0 : i32
    return %c0_i32, %c0_i32_0 : i32, i32
  }
  func.func @transform_2(%arg0: i32) -> (i32, i32) {
    %c0_i32 = arith.constant 0 : i32
    %c0_i32_0 = arith.constant 0 : i32
    %c0_i32_1 = arith.constant 0 : i32
    return %c0_i32, %c0_i32_0 : i32, i32
  }
  func.func @transform_3(%arg0: i32) -> (i32, i32) {
    %c0_i32 = arith.constant 0 : i32
    %c0_i32_0 = arith.constant 0 : i32
    return %arg0, %c0_i32 : i32, i32
  }
  func.func @transform_4(%arg0: i32) -> (i32, i32) {
    %c0_i32 = arith.constant 0 : i32
    %c0_i32_0 = arith.constant 0 : i32
    return %arg0, %c0_i32 : i32, i32
  }
}

module attributes {stable_mosaic.version = 14 : i64} {
  func.func @_transform2_body(%arg0: i32, %arg1: memref<1000x128xf32, #tpu.memory_space<vmem>>, %arg2: memref<1000x128xf32, #tpu.memory_space<vmem>>, %arg3: memref<128x1152xf32, #tpu.memory_space<vmem>>, %arg4: memref<1x128xf32, #tpu.memory_space<vmem>>, %arg5: memref<1000x1024xf32, #tpu.memory_space<vmem>>, %arg6: memref<1000x128xf32, #tpu.memory_space<vmem>>) attributes {dimension_semantics = [#tpu.dimension_semantics<arbitrary>], iteration_bounds = array<i64: 10>, scalar_prefetch = 0 : i64, scratch_operands = 0 : i64, tpu.core_type = #tpu.core_type<tc>, window_params = [{transform_indices = @transform_0, window_bounds = array<i64: 1000, 128>}, {transform_indices = @transform_1, window_bounds = array<i64: 1000, 128>}, {pipeline_mode = #tpu.pipeline_mode<synchronous>, transform_indices = @transform_2, window_bounds = array<i64: 128, 1152>}, {pipeline_mode = #tpu.pipeline_mode<synchronous>, transform_indices = @transform_3, window_bounds = array<i64: 1, 128>}, {transform_indices = @transform_4, window_bounds = array<i64: 1000, 1024>}, {transform_indices = @transform_5, window_bounds = array<i64: 1000, 128>}]} {
    %get3A = arith.constant 0 : index
    %get3A_0 = arith.constant 0 : index
    %get3A_1 = vector.load %arg1[%get3A, %get3A_0] : memref<1000x128xf32, #tpu.memory_space<vmem>>, vector<1000x128xf32>
    %get3A_2 = arith.constant 0 : index
    %get3A_3 = arith.constant 0 : index
    %get3A_4 = vector.load %arg2[%get3A_2, %get3A_3] : memref<1000x128xf32, #tpu.memory_space<vmem>>, vector<1000x128xf32>
    %add3A = arith.addf %get3A_1, %get3A_4 : vector<1000x128xf32>
    %max3A = arith.constant 0.000000e+00 : f32
    %max3A_5 = vector.broadcast %max3A : f32 to vector<1000x128xf32>
    %max3A_6 = arith.maximumf %add3A, %max3A_5 : vector<1000x128xf32>
    %get3A_7 = arith.constant 0 : index
    %get3A_8 = arith.constant 0 : index
    %get3A_9 = vector.load %arg3[%get3A_7, %get3A_8] : memref<128x1152xf32, #tpu.memory_space<vmem>>, vector<128x1152xf32>
    %dot_general3A = arith.constant dense<0.000000e+00> : vector<1000x1152xf32>
    %dot_general3A_10 = tpu.matmul %max3A_6, %get3A_9, %dot_general3A {dimension_numbers = #tpu.dot_dimension_numbers<[1], [0], [0], [1], [0, 0, 1, 1], [], []>, transpose_lhs_hint = false} : vector<1000x128xf32>, vector<128x1152xf32>, vector<1000x1152xf32> -> vector<1000x1152xf32>
    %slice3A = vector.extract_strided_slice %dot_general3A_10 {offsets = [0, 0], sizes = [1000, 1024], strides = [1, 1]} : vector<1000x1152xf32> to vector<1000x1024xf32>
    %swap3A = arith.constant 0 : index
    %swap3A_11 = arith.constant 0 : index
    %swap3A_12 = vector.load %arg5[%swap3A, %swap3A_11] : memref<1000x1024xf32, #tpu.memory_space<vmem>>, vector<1000x1024xf32>
    tpu.vector_store %arg5[%swap3A, %swap3A_11], %slice3A {strides = array<i32>} : memref<1000x1024xf32, #tpu.memory_space<vmem>>, vector<1000x1024xf32>,
    %slice3A_13 = vector.extract_strided_slice %dot_general3A_10 {offsets = [0, 1024], sizes = [1000, 128], strides = [1, 1]} : vector<1000x1152xf32> to vector<1000x128xf32>
    %get3A_14 = arith.constant 0 : index
    %get3A_15 = arith.constant 0 : index
    %get3A_16 = vector.load %arg4[%get3A_14, %get3A_15] : memref<1x128xf32, #tpu.memory_space<vmem>>, vector<1x128xf32>
    %add3A_17 = vector.broadcast %get3A_16 : vector<1x128xf32> to vector<1000x128xf32>
    %add3A_18 = arith.addf %slice3A_13, %add3A_17 : vector<1000x128xf32>
    %swap3A_19 = arith.constant 0 : index
    %swap3A_20 = arith.constant 0 : index
    %swap3A_21 = vector.load %arg6[%swap3A_19, %swap3A_20] : memref<1000x128xf32, #tpu.memory_space<vmem>>, vector<1000x128xf32>
    tpu.vector_store %arg6[%swap3A_19, %swap3A_20], %add3A_18 {strides = array<i32>} : memref<1000x128xf32, #tpu.memory_space<vmem>>, vector<1000x128xf32>,
    return
  }
  func.func @transform_0(%arg0: i32) -> (i32, i32) {
    %c0_i32 = arith.constant 0 : i32
    %c0_i32_0 = arith.constant 0 : i32
    return %arg0, %c0_i32 : i32, i32
  }
  func.func @transform_1(%arg0: i32) -> (i32, i32) {
    %c0_i32 = arith.constant 0 : i32
    %c0_i32_0 = arith.constant 0 : i32
    return %arg0, %c0_i32 : i32, i32
  }
  func.func @transform_2(%arg0: i32) -> (i32, i32) {
    %c0_i32 = arith.constant 0 : i32
    %c0_i32_0 = arith.constant 0 : i32
    %c0_i32_1 = arith.constant 0 : i32
    return %c0_i32, %c0_i32_0 : i32, i32
  }
  func.func @transform_3(%arg0: i32) -> (i32, i32) {
    %c0_i32 = arith.constant 0 : i32
    %c0_i32_0 = arith.constant 0 : i32
    %c0_i32_1 = arith.constant 0 : i32
    return %c0_i32, %c0_i32_0 : i32, i32
  }
  func.func @transform_4(%arg0: i32) -> (i32, i32) {
    %c0_i32 = arith.constant 0 : i32
    %c0_i32_0 = arith.constant 0 : i32
    return %arg0, %c0_i32 : i32, i32
  }
  func.func @transform_5(%arg0: i32) -> (i32, i32) {
    %c0_i32 = arith.constant 0 : i32
    %c0_i32_0 = arith.constant 0 : i32
    return %arg0, %c0_i32 : i32, i32
  }
}

module attributes {stable_mosaic.version = 14 : i64} {
  func.func @_add_body(%arg0: i32, %arg1: memref<1000x128xf32, #tpu.memory_space<vmem>>, %arg2: memref<1000x128xf32, #tpu.memory_space<vmem>>, %arg3: memref<1000x128xf32, #tpu.memory_space<vmem>>) attributes {dimension_semantics = [#tpu.dimension_semantics<arbitrary>], iteration_bounds = array<i64: 10>, scalar_prefetch = 0 : i64, scratch_operands = 0 : i64, tpu.core_type = #tpu.core_type<tc>, window_params = [{transform_indices = @transform_0, window_bounds = array<i64: 1000, 128>}, {transform_indices = @transform_1, window_bounds = array<i64: 1000, 128>}, {transform_indices = @transform_2, window_bounds = array<i64: 1000, 128>}]} {
    %get3A = arith.constant 0 : index
    %get3A_0 = arith.constant 0 : index
    %get3A_1 = vector.load %arg1[%get3A, %get3A_0] : memref<1000x128xf32, #tpu.memory_space<vmem>>, vector<1000x128xf32>
    %get3A_2 = arith.constant 0 : index
    %get3A_3 = arith.constant 0 : index
    %get3A_4 = vector.load %arg2[%get3A_2, %get3A_3] : memref<1000x128xf32, #tpu.memory_space<vmem>>, vector<1000x128xf32>
    %add3A = arith.addf %get3A_1, %get3A_4 : vector<1000x128xf32>
    %swap3A = arith.constant 0 : index
    %swap3A_5 = arith.constant 0 : index
    %swap3A_6 = vector.load %arg3[%swap3A, %swap3A_5] : memref<1000x128xf32, #tpu.memory_space<vmem>>, vector<1000x128xf32>
    tpu.vector_store %arg3[%swap3A, %swap3A_5], %add3A {strides = array<i32>} : memref<1000x128xf32, #tpu.memory_space<vmem>>, vector<1000x128xf32>,
    return
  }
  func.func @transform_0(%arg0: i32) -> (i32, i32) {
    %c0_i32 = arith.constant 0 : i32
    %c0_i32_0 = arith.constant 0 : i32
    return %arg0, %c0_i32 : i32, i32
  }
  func.func @transform_1(%arg0: i32) -> (i32, i32) {
    %c0_i32 = arith.constant 0 : i32
    %c0_i32_0 = arith.constant 0 : i32
    return %arg0, %c0_i32 : i32, i32
  }
  func.func @transform_2(%arg0: i32) -> (i32, i32) {
    %c0_i32 = arith.constant 0 : i32
    %c0_i32_0 = arith.constant 0 : i32
    return %arg0, %c0_i32 : i32, i32
  }
}

</mosaic_0001>

<sc_bundles>
// kernel: kernel.10.cloned.1.call-start
scs
__scs_entry_jumppad:
0x0: {  	(pc) =	sbr.rel $0x88, $3  }
0x1: {  	(tag) =	ssettag $0x0;
	lr =	simm.s32 $0x1  }
0x2: {  	[smem:$0x3F98] =	sst lr;
	_ =	strace $0xD0000000  }
0x3: {  	_ = 	snop  }
0x4: {  	_ = 	snop  }
0x5: {  	_ = 	snop  }
0x6: {  	_ = 	snop  }
0x7: {  	_ = 	snop  }
__scs_overlays_trampoline_lowered:
0x8: {  	[smem:$0x3FA7] =	sst s0  }
0x9: {  	[smem:$0x3FA8] =	sst s1  }
0xa: {  	[smem:$0x3FA9] =	sst s2  }
0xb: {  	[smem:$0x3FAA] =	sst s3  }
0xc: {  	[smem:$0x3FAB] =	sst s4  }
0xd: {  	[smem:$0x3FAC] =	sst s5  }
0xe: {  	[smem:$0x3FAD] =	sst s6  }
0xf: {  	[smem:$0x3FAE] =	sst s7  }
0x10: {  	[smem:$0x3FAF] =	sst s8  }
0x11: {  	[smem:$0x3FB0] =	sst s9;
	s0 =	simm.s32 @!p0 $0x0  }
0x12: {  	s1 =	sld [smem:$0x3F96];
	s0 =	simm.s32 @p0 $0x1  }
0x13: {  	[smem:$0x3FB1] =	sst s0;
	s0 =	simm.s32 @!p1 $0x0  }
0x14: {  	s2 =	sld [smem:$0x3F95];
	s0 =	simm.s32 @p1 $0x1  }
0x15: {  	[smem:$0x3FB2] =	sst s0;
	s0 =	simm.s32 @!p2 $0x0  }
0x16: {  	s3 =	sld [smem:$0x3FDB];
	s0 =	simm.s32 @p2 $0x1  }
0x17: {  	s4 =	simm.s32 $0x1BF5;
	[smem:$0x3FB4] =	sst s0  }
0x18: {  	s0 =	sld [smem:$0x3F97];
	_ =	swait.ge [sflag:s4], $0x0  }
0x19: {  	s7 =	sld [smem:$0x3F98]  }
0x1a: {  	s8 =	sadd.s32 $0xFFFFE003, lr  }
0x1b: {  	s9 =	sadd.s32 $0xFFFFFEF7, lr;
	s5 =	simm.s32 $0xFFFFFFFF;
	p2 =	slt.u32 s8, $0xFFFFF086  }
0x1c: {  	p1 =	slt.u32 s9, $0xF7A;
	s5 =	simm.s32 @!p2 $0x0  }
0x1d: {  	s5 =	simm.s32 @p1 $0x1;
	p0 =	seq.s32 s7, s2  }
0x1e: {  	s7 =	smul.u32 @!p0 $0xF7A, s2;
	p2 =	seq.s32 @!p0 s5, $0x0  }
0x1f: {  	s9 =	smul.u32 $0xF7A, s1;
	s8 =	simm.s32 @!p0 $0x1BF5;
	p2 =	por !p2, p0  }
0x20: {  	[sflag:s8] =	ssyncset.s32 @!p0 $0xFFFFF086;
	s6 =	sadd.s32 @!p0 s3, s7;
	s7 =	simm.s32 @!p0 $0x108  }
0x21: {  	s3 =	sadd.s32 s3, s9;
	s6 =	sadd.s32 @!p0 $0x88, s6;
	s7 =	simm.s32 @p2 $0x1082  }
0x22: {  	[simem:s7], [sflag:s8] =	dma.local @!p0 [hbm:s6], $0xF7A  }
0x23: {  	s9 =	sor.u32 $0xD0000000, s2;
	s6 =	simm.s32 $0x108;
	_ =	swait.ge @!p0 [sflag:s8], $0x0  }
0x24: {  	s3 =	sadd.s32 $0x88, s3;
	s6 =	simm.s32 @!p1 $0x1082;
	[sflag:s4] =	ssyncset.s32 $0xFFFFF086  }
0x25: {  	[simem:s6], [sflag:s4] =	dma.local [hbm:s3], $0xF7A  }
0x26: {  	[smem:$0x3F98] =	sst s1;
	(tag) =	ssettag s2;
	_ =	strace s9  }
0x27: {  	s1 =	sld [smem:$0x3FA8]  }
0x28: {  	s2 =	sld [smem:$0x3FA9]  }
0x29: {  	s4 =	sld [smem:$0x3FAB]  }
0x2a: {  	p0 =	seq.s32 s5, $0x0;
	s5 =	sld [smem:$0x3FAC]  }
0x2b: {  	s6 =	sld [smem:$0x3FAD]  }
0x2c: {  	s7 =	sld [smem:$0x3FAE]  }
0x2d: {  	s3 =	simm.s32 $0x108;
	s8 =	sld [smem:$0x3FAF]  }
0x2e: {  	s3 =	simm.s32 @!p0 $0x1082;
	s9 =	sld [smem:$0x3FB0]  }
0x2f: {  	lr =	sadd.s32 s0, s3;
	s0 =	sld [smem:$0x3FA7]  }
0x30: {  	s3 =	sld [smem:$0x3FAA]  }
0x31: {  	[smem:$0x3FB3] =	sst s10  }
0x32: {  	s10 =	sld [smem:$0x3FB1];
	_ =	sdelay $0x3  }
0x33: {  	p0 =	seq.s32 s10, $0x1;
	s10 =	sld [smem:$0x3FB3];
	_ =	sdelay $0x3  }
0x34: {  	[smem:$0x3FB3] =	sst s10  }
0x35: {  	s10 =	sld [smem:$0x3FB2];
	_ =	sdelay $0x3  }
0x36: {  	p1 =	seq.s32 s10, $0x1;
	s10 =	sld [smem:$0x3FB3];
	_ =	sdelay $0x3  }
0x37: {  	[smem:$0x3FB3] =	sst s10  }
0x38: {  	s10 =	sld [smem:$0x3FB4]  }
0x39: {  	_ = 	snop;
	(pc) =	sbr.ind lr, $3  }
0x3a: {  	_ = 	snop  }
0x3b: {  	_ = 	snop  }
0x3c: {  	p2 =	seq.s32 s10, $0x1;
	s10 =	sld [smem:$0x3FB3]  }
0x3d: {  	_ =	shalt  }
0x3e: {  	_ =	shalt  }
0x3f: {  	_ =	shalt  }
0x40: {  	_ =	shalt  }
0x41: {  	_ =	shalt  }
0x42: {  	_ =	shalt  }
0x43: {  	_ =	shalt  }
0x44: {  	_ =	shalt  }
0x45: {  	_ =	shalt  }
0x46: {  	_ =	shalt  }
0x47: {  	_ =	shalt  }
0x48: {  	_ =	shalt  }
0x49: {  	_ =	shalt  }
0x4a: {  	_ =	shalt  }
0x4b: {  	_ =	shalt  }
0x4c: {  	_ =	shalt  }
0x4d: {  	_ =	shalt  }
0x4e: {  	_ =	shalt  }
0x4f: {  	_ =	shalt  }
0x50: {  	_ =	shalt  }
0x51: {  	_ =	shalt  }
0x52: {  	_ =	shalt  }
0x53: {  	_ =	shalt  }
0x54: {  	_ =	shalt  }
0x55: {  	_ =	shalt  }
0x56: {  	_ =	shalt  }
0x57: {  	_ =	shalt  }
0x58: {  	_ =	shalt  }
0x59: {  	_ =	shalt  }
0x5a: {  	_ =	shalt  }
0x5b: {  	_ =	shalt  }
0x5c: {  	_ =	shalt  }
0x5d: {  	_ =	shalt  }
0x5e: {  	_ =	shalt  }
0x5f: {  	_ =	shalt  }
0x60: {  	_ =	shalt  }
0x61: {  	_ =	shalt  }
0x62: {  	_ =	shalt  }
0x63: {  	_ =	shalt  }
0x64: {  	_ =	shalt  }
0x65: {  	_ =	shalt  }
0x66: {  	_ =	shalt  }
0x67: {  	_ =	shalt  }
0x68: {  	_ =	shalt  }
0x69: {  	_ =	shalt  }
0x6a: {  	_ =	shalt  }
0x6b: {  	_ =	shalt  }
0x6c: {  	_ =	shalt  }
0x6d: {  	_ =	shalt  }
0x6e: {  	_ =	shalt  }
0x6f: {  	_ =	shalt  }
0x70: {  	_ =	shalt  }
0x71: {  	_ =	shalt  }
0x72: {  	_ =	shalt  }
0x73: {  	_ =	shalt  }
0x74: {  	_ =	shalt  }
0x75: {  	_ =	shalt  }
0x76: {  	_ =	shalt  }
0x77: {  	_ =	shalt  }
0x78: {  	_ =	shalt  }
0x79: {  	_ =	shalt  }
0x7a: {  	_ =	shalt  }
0x7b: {  	_ =	shalt  }
0x7c: {  	_ =	shalt  }
0x7d: {  	_ =	shalt  }
0x7e: {  	_ =	shalt  }
0x7f: {  	_ =	shalt  }
0x80: {  	_ =	shalt  }
0x81: {  	_ =	shalt  }
0x82: {  	_ =	shalt  }
0x83: {  	_ =	shalt  }
0x84: {  	_ =	shalt  }
0x85: {  	_ =	shalt  }
0x86: {  	_ =	shalt  }
0x87: {  	_ =	shalt  }
.Lfunc_end0:
.L_simem_size_0:
called_computation.1_lowered:
.L_overlay_start_0:
0x88: {  	s2 =	sld [smem:$0x3FD9]  }
0x89: {  	s3 =	sld [smem:$0x3FFE];
	_ =	sdelay $0x1  }
0x8a: {  	s1 =	srdreg.scid  }
0x8b: {  	s0 =	sand.u32 $0x1, s1  }
0x8c: {  	s17 =	sshll.u32 s0, $0xA;
	s2 =	sadd.s32 s3, s2  }
0x8d: {  	s2 =	sadd.s32 s2, s17  }
0x8e: {  	[smem:$0x3FBF] =	sst s2  }
0x8f: {  	_ = 	snop  }
0x90: {  	s2 =	sld [smem:$0x3FD0];
	(tm) =	ssettm $0x1  }
0x91: {  	s18 =	sld [smem:$0x3FFB];
	_ =	sdelay $0x3  }
0x92: {  	_ =	strace s18  }
0x93: {  	s3 =	sld [smem:$0x3FFC];
	_ =	sdelay $0x3  }
0x94: {  	_ =	strace s3  }
0x95: {  	s3 =	sld [smem:$0x3FFD];
	_ =	sdelay $0x3  }
0x96: {  	_ =	strace s3  }
0x97: {  	_ =	strace $0x8FFFFFFF  }
0x98: {  	s19 =	sld [smem:$0x3FDB];
	_ =	sdelay $0x1  }
0x99: {  	s4 =	simm.s32 $_scs_section_size  }
0x9a: {  	s5 =	simm.s32 $_size__tile_overlayer_lowered;
	s6 =	simm.s32 $_tile_overlayer_lowered  }
0x9b: {  	s22 =	simm.s32 $0x1BFF;
	s21 =	sshll.u32 s6, $0x1;
	s3 =	sadd.s32 s4, s19  }
0x9c: {  	s7 =	simm.s32 $0x0;
	s20 =	sshll.u32 s5, $0x1;
	s5 =	sadd.s32 s21, s3  }
0x9d: {  	[timem:s7], [sflag:s22] =	dma.local [hbm:s5], s20  }
0x9e: {  	_ =	swait.ge [sflag:s22], s20  }
0x9f: {  	s4 =	ssub.s32 $0x0, s20;
	[sflag:s22] =	ssyncset.done $0x0  }
0xa0: {  	[sflag:s22] =	ssyncadd.s32 s4;
	_ =	sdelay $0x1  }
0xa1: {  	s23 =	simm.s32 $0x1B8B  }
0xa2: {  	_ =	swait.ge [sflag:s23], $0x1  }
0xa3: {  	[sflag:s23] =	ssyncset.done $0x0  }
0xa4: {  	s25 =	simm.s32 $0x1B8E;
	s24 =	sld [smem:$0x3FFE];
	[sflag:s23] =	ssyncadd.s32 $0xFFFFFFFF  }
0xa5: {  	s26 =	simm.s32 $execute0_lowered;
	[smem:$0x3FD2] =	sst s25  }
0xa6: {  	s5 =	sshll.u32 s26, $0x1;
	_ =	strace $0x80000049;
	[dreg:$0x1] =	wrdreg $0xFFFFFFFF  }
0xa7: {  	s28 =	simm.s32 $_size_execute0_lowered;
	s3 =	sadd.s32 s3, s5;
	[dreg:$0x0] =	wrdreg $0x0  }
0xa8: {  	s5 =	sshll.u32 s28, $0x1;
	[dreg:$0x2] =	wrdreg s3  }
0xa9: {  	[dreg:$0x3] =	wrdreg s5  }
0xaa: {  	[dreg:$0x4] =	wrdreg $0xC0  }
0xab: {  	_ =	task [dreg:s7], $0x5FFFF  }
0xac: {  	[dreg:$0x1] =	wrdreg $0xFFFFFFFF  }
0xad: {  	[dreg:$0x0] =	wrdreg $0x60  }
0xae: {  	[dreg:$0x2] =	wrdreg s24  }
0xaf: {  	[dreg:$0x3] =	wrdreg s2  }
0xb0: {  	[dreg:$0x4] =	wrdreg $0xBC000  }
0xb1: {  	[dreg:$0x5] =	wrdreg $0x9  }
0xb2: {  	_ =	task.clear_ibuf [dreg:s7], $0x6FFFF;
	_ =	strace $0x90000049  }
0xb3: {  	s29 =	simm.s32 $0x9;
	_ =	strace $0x8000004B  }
0xb4: {  	_ =	swait.ge [sflag:s29], $0x1  }
0xb5: {  	[sflag:s29] =	ssyncadd.s32 $0xFFFFFFFF  }
0xb6: {  	_ =	strace $0x9000004B  }
0xb7: {  	_ =	sfence  }
0xb8: {  	s30 =	sld [smem:$0x0];
	_ =	sdelay $0x2  }
0xb9: {  	s31 =	sshll.u32 s1, $0xD;
	s1 =	sshrl.u32 s1, $0x2  }
0xba: {  	s3 =	sand.u32 $0x4000, s31;
	s1 =	sadd.s32 s1, s30  }
0xbb: {  	s0 =	sor.u32 s3, s0;
	s1 =	sshll.u32 s1, $0x11  }
0xbc: {  	s0 =	sor.u32 s1, s0  }
0xbd: {  	s0 =	sadd.s32 $0x8F2B, s0  }
0xbe: {  	[sflag:s0] =	ssyncadd.remote.s32 $0x1  }
0xbf: {  	_ =	sfence.sel $0xFFFF  }
0xc0: {  	[dreg:$0x0] =	wrdreg $0xFFFFFFFF;
	(pc) =	sbr.abs _section_cstart, $3  }
0xc1: {  	[dreg:$0x1] =	wrdreg $0xFFFFFFFF  }
0xc2: {  	_ =	task.clear_ibuf [dreg:s7], $0x2FFFF;
	_ =	strace $0x9FFFFFFF  }
0xc3: {  	(tm) =	ssettm $0x7FFFFFFF  }
tec
execute0_lowered:
.L_overlay_start_1:
0x0: {  	(tag) =	ssettag $0x1  }
0x1: {  	s0 =	rddreg [dreg:$0x0]  }
0x2: {  	s7 =	rddreg [dreg:$0x1]  }
0x3: {  	s1 =	srdreg.scid;
	s10 =	rddreg [dreg:$0x2]  }
0x4: {  	s19 =	stileid.u32;
	s2 =	simm.s32 $0x0;
	s28 =	simm.s32 $0x3  }
0x5: {  	s29 =	simm.s32 $0x9C00;
	s30 =	simm.s32 $0x4;
	s8 =	smul.u32 $0x2780, s19  }
0x6: {  	s31 =	simm.s32 $0x5;
	s1 =	sand.u32 $0x1, s1;
	s12 =	smul.u32 $0x4F000, s19  }
0x7: {  	[smem:$0x7FF] =	sst s2;
	s13 =	sadd.s32 $0x38600, s0;
	s23 =	smul.u32 $0x13C00, s19  }
0x8: {  	s15 =	sadd.s32 $0x128400, s10;
	p1 =	seq.s32 s19, $0xF;
	s26 =	sshll.u32 s19, $0x6  }
0x9: {  	s3 =	sshll.u32 s1, $0x4;
	_ =	strace $0x8000004A;
	s6 =	ssub.s32 $0x2, s1  }
0xa: {  	s22 =	smul.u32 $0x138800, s1;
	p0 =	sne.s32 s1, $0x0;
	s15 =	sshrl.u32 @p1 s15, $0x3  }
0xb: {  	s20 =	sor.u32 $0x1C06, s26;
	s26 =	simm.s32 $0x7C00;
	s3 =	sor.u32 s19, s3  }
0xc: {  	s9 =	sadd.s32 s8, s0;
	s11 =	sshrl.u32 s6, $0x1;
	s4 =	smul.u32 $0x280, s3  }
0xd: {  	s21 =	sshrl.u32 s12, $0x2;
	s8 =	sadd.s32 s7, s8;
	s5 =	smul.u32 $0x500, s3  }
0xe: {  	s3 =	sadd.s32 $0x170E00, s0;
	s14 =	ssub.s32 s6, s11;
	s6 =	sadd.s32 s21, s10  }
0xf: {  	s9 =	sadd.s32 $0x10E00, s9;
	[dreg:$0x5] =	wrdreg s8;
	s12 =	sadd.s32 s23, s22  }
0x10: {  	s11 =	sshrl.u32 s22, $0x3;
	s21 =	simm.s32 $0x6;
	s22 =	simm.s32 $0x40  }
0x11: {  	s23 =	simm.s32 $0x3C00;
	[dreg:$0x4] =	wrdreg s9;
	s9 =	sadd.s32 $0x25080, s7  }
0x12: {  	s7 =	sadd.s32 $0x138800, s10;
	s10 =	sadd.s32 $0x37F00, s0;
	s24 =	sshrl.u32 s12, $0x3  }
0x13: {  	s25 =	sadd.s32 s13, s11;
	s18 =	sshrl.u32 @!p1 s6, $0x3;
	s4 =	sadd.s32 s4, s0  }
.Ltmp0:
0x14: {  	s5 =	sadd.s32 s5, s0;
	s11 =	sadd.s32 s13, s24;
	(pc) =	sbr.rel .LBB2_1-.Ltmp0, $4  }
0x15: {  	s12 =	sadd.s32 $0x25080, s25;
	s13 =	smax.u32 s14, $0x1;
	s14 =	simm.s32 $0x1400  }
0x16: {  	s16 =	sshrl.u32 @p1 s7, $0x3;
	s0 =	sshll.u32 @!p1 s19, $0x6;
	s19 =	simm.s32 $0x1  }
0x17: {  	s24 =	simm.s32 $0x5C00;
	s25 =	simm.s32 $0x2;
	s4 =	sadd.s32 $0xBE00, s4  }
0x18: {  	s5 =	sadd.s32 $0x1E00, s5;
	s17 =	sor.u32 @!p1 $0x1C06, s0;
	s0 =	simm.s32 $0x0  }
.LBB2_2:
0x19: {  	s1 =	simm.s32 @p1 $0x1FC6;
	s7 =	simm.s32 @p1 $0x6  }
0x1a: {  	[spmem:s15], [sflag:s1] =	dma.local @p1 [hbm:s9], $0x2080  }
0x1b: {  	_ =	swait.ge @p1 [sflag:s7], $0x2080  }
0x1c: {  	[sflag:s7] =	ssyncset.done @p1 $0x0  }
0x1d: {  	[sflag:s7] =	ssyncadd.s32 @p1 $0xFFFFDF80  }
0x1e: {  	[spmem:s16], [sflag:s1] =	dma.local @p1 [hbm:s10], $0x700  }
0x1f: {  	_ =	swait.ge @p1 [sflag:s7], $0x700  }
0x20: {  	[sflag:s7] =	ssyncset.done @p1 $0x0  }
0x21: {  	s1 =	rddreg [dreg:$0x5];
	[sflag:s7] =	ssyncadd.s32 @p1 $0xFFFFF900  }
0x22: {  	[spmem:s18], [sflag:s17] =	dma.local @!p1 [hbm:s1], $0x2780  }
0x23: {  	s1 =	simm.s32 @!p1 $0x6  }
0x24: {  	_ =	swait.ge @!p1 [sflag:s1], $0x2780  }
0x25: {  	[sflag:s1] =	ssyncset.done @!p1 $0x0  }
0x26: {  	[sflag:s1] =	ssyncadd.s32 @!p1 $0xFFFFD880  }
0x27: {  	[bflag:$0x0] =	sbarrier.arrive $0xFFFF  }
0x28: {  	_ =	swait.ge [sflag:s19], $0x1400  }
0x29: {  	[sflag:s19] =	ssyncset.done $0x0  }
0x2a: {  	[sflag:s19] =	ssyncadd.s32 $0xFFFFEC00  }
0x2b: {  	_ =	swait.ge [sflag:s19], $0x2800  }
0x2c: {  	[sflag:s19] =	ssyncset.done $0x0  }
0x2d: {  	[sflag:s19] =	ssyncadd.s32 $0xFFFFD800  }
.LBB2_6:
0x2e: {  	[bflag:$0x0] =	sbarrier.arrive $0xFFFF;
	s1 =	simm.s32 @p1 $0x1FC6  }
0x2f: {  	[hbm:s12], [sflag:s1] =	dma.local @p1 [spmem:s15], $0x2080  }
0x30: {  	s1 =	simm.s32 @p1 $0x6  }
0x31: {  	_ =	swait.ge @p1 [sflag:s1], $0x2080  }
0x32: {  	s0 =	sadd.s32 $0x1, s0;
	[sflag:s1] =	ssyncset.done @p1 $0x0  }
0x33: {  	p2 =	sne.s32 s0, s13;
	[sflag:s1] =	ssyncadd.s32 @p1 $0xFFFFDF80;
	s1 =	simm.s32 @!p1 $0x6  }
0x34: {  	[hbm:s11], [sflag:s17] =	dma.local @!p1 [spmem:s18], $0x2780  }
.Ltmp1:
0x35: {  	_ =	swait.ge @!p1 [sflag:s1], $0x2780;
	(pc) =	sbr.rel @!p2 .LBB2_7-.Ltmp1, $3  }
0x36: {  	[sflag:s1] =	ssyncset.done @!p1 $0x0  }
0x37: {  	[sflag:s1] =	ssyncadd.s32 @!p1 $0xFFFFD880  }
0x38: {  	[bflag:$0x0] =	sbarrier.arrive $0xFFFF;
	_ =	sdelay $0x1  }
.LBB2_1:
.Ltmp2:
0x39: {  	(pc) =	sbr.rel @!p0 .LBB2_2-.Ltmp2, $4  }
0x3a: {  	_ = 	snop  }
0x3b: {  	[tilespmem:s2], [sflag:$0x1] =	stream.linear.gather [hbm4b:s4+s2], $0x1400, $0x38;
	[tilespmem:$0x1F800] =	vst v63  }
0x3c: {  	_ = 	snop  }
0x3d: {  	[tilespmem:s14], [sflag:$0x1] =	stream.linear.gather [hbm4b:s5+s2], $0x2800, $0x38;
	[tilespmem:$0x1F800] =	vst v63  }
0x3e: {  	s1 =	sshrl.u32 s6, $0x3;
	s7 =	rddreg [dreg:$0x4]  }
0x3f: {  	[spmem:s1], [sflag:s20] =	dma.local [hbm:s7], $0x2780  }
0x40: {  	_ =	swait.ge [sflag:s21], $0x2780  }
0x41: {  	[sflag:s21] =	ssyncset.done $0x0  }
0x42: {  	[sflag:s21] =	ssyncadd.s32 $0xFFFFD880  }
0x43: {  	[bflag:$0x0] =	sbarrier.arrive $0xFFFF  }
0x44: {  	_ =	swait.ge [sflag:s19], $0x1400  }
0x45: {  	[sflag:s19] =	ssyncset.done $0x0  }
0x46: {  	[sflag:s19] =	ssyncadd.s32 $0xFFFFEC00  }
0x47: {  	_ =	swait.ge [sflag:s19], $0x2800  }
0x48: {  	[sflag:s19] =	ssyncset.done $0x0  }
0x49: {  	[sflag:s19] =	ssyncadd.s32 $0xFFFFD800  }
0x4a: {  	[tilespmem:s23], [sflag:$0x2] =	stream.indirect.gather [hbm4b:s3+s22], $0x80, s2, s22, $0xb8;
	[tilespmem:$0x1F800] =	vst v63  }
0x4b: {  	_ = 	snop  }
0x4c: {  	[tilespmem:s24], [sflag:$0x3] =	stream.indirect.gather [hbm4b:s3+s22], $0x80, s22, s22, $0xb8;
	[tilespmem:$0x1F800] =	vst v63  }
0x4d: {  	_ =	swait.ge [sflag:s25], $0x2000  }
0x4e: {  	[sflag:s25] =	ssyncset.done $0x0  }
0x4f: {  	s8 =	simm.s32 $0x80;
	[sflag:s25] =	ssyncadd.s32 $0xFFFFE000  }
0x50: {  	[tilespmem:s26], [sflag:$0x4] =	stream.indirect.gather [hbm4b:s3+s22], $0x80, s8, s22, $0xb8;
	[tilespmem:$0x1F800] =	vst v63  }
0x51: {  	_ =	swait.ge [sflag:s28], $0x2000  }
0x52: {  	[sflag:s28] =	ssyncset.done $0x0  }
0x53: {  	s7 =	simm.s32 $0xC0;
	[sflag:s28] =	ssyncadd.s32 $0xFFFFE000  }
0x54: {  	[tilespmem:s29], [sflag:$0x5] =	stream.indirect.gather [hbm4b:s3+s22], $0x80, s7, s22, $0xb8;
	[tilespmem:$0x1F800] =	vst v63  }
0x55: {  	_ =	swait.ge [sflag:s30], $0x2000  }
0x56: {  	[sflag:s30] =	ssyncset.done $0x0  }
0x57: {  	s8 =	simm.s32 $0x100;
	[sflag:s30] =	ssyncadd.s32 $0xFFFFE000  }
0x58: {  	[tilespmem:s23], [sflag:$0x2] =	stream.indirect.gather [hbm4b:s3+s22], $0x80, s8, s22, $0xb8;
	[tilespmem:$0x1F800] =	vst v63  }
0x59: {  	_ =	swait.ge [sflag:s31], $0x2000  }
0x5a: {  	[sflag:s31] =	ssyncset.done $0x0  }
0x5b: {  	s1 =	simm.s32 $0xFFFFB800;
	s7 =	simm.s32 $0x140;
	[sflag:s31] =	ssyncadd.s32 $0xFFFFE000  }
.LBB2_4:
0x5c: {  	[tilespmem:s24], [sflag:$0x3] =	stream.indirect.gather [hbm4b:s3+s22], $0x80, s7, s22, $0xb8;
	[tilespmem:$0x1F800] =	vst v63  }
0x5d: {  	s7 =	smov.u32 s1  }
0x5e: {  	p2 =	seq.s32 s1, $0xFFFFFC00;
	s1 =	sadd.s32 $0x400, s1;
	_ =	swait.ge [sflag:s25], $0x2000  }
0x5f: {  	s7 =	sshra.s32 s7, $0x2;
	[sflag:s25] =	ssyncset.done $0x0  }
0x60: {  	s8 =	sadd.s32 $0x1380, s7;
	[sflag:s25] =	ssyncadd.s32 $0xFFFFE000  }
0x61: {  	[tilespmem:s26], [sflag:$0x4] =	stream.indirect.gather [hbm4b:s3+s22], $0x80, s8, s22, $0xb8;
	[tilespmem:$0x1F800] =	vst v63  }
0x62: {  	_ =	swait.ge [sflag:s28], $0x2000  }
0x63: {  	[sflag:s28] =	ssyncset.done $0x0  }
0x64: {  	s8 =	sadd.s32 $0x13C0, s7;
	[sflag:s28] =	ssyncadd.s32 $0xFFFFE000  }
0x65: {  	[tilespmem:s29], [sflag:$0x5] =	stream.indirect.gather [hbm4b:s3+s22], $0x80, s8, s22, $0xb8;
	[tilespmem:$0x1F800] =	vst v63  }
0x66: {  	_ =	swait.ge [sflag:s30], $0x2000  }
0x67: {  	[sflag:s30] =	ssyncset.done $0x0  }
.Ltmp3:
0x68: {  	s8 =	sadd.s32 $0x1400, s7;
	[sflag:s30] =	ssyncadd.s32 $0xFFFFE000;
	(pc) =	sbr.rel @!p2 .LBB2_4-.Ltmp3, $4  }
0x69: {  	[tilespmem:s23], [sflag:$0x2] =	stream.indirect.gather [hbm4b:s3+s22], $0x80, s8, s22, $0xb8;
	[tilespmem:$0x1F800] =	vst v63  }
0x6a: {  	_ =	swait.ge [sflag:s31], $0x2000  }
0x6b: {  	[sflag:s31] =	ssyncset.done $0x0  }
0x6c: {  	s7 =	sadd.s32 $0x1440, s7;
	[sflag:s31] =	ssyncadd.s32 $0xFFFFE000  }
0x6d: {  	[tilespmem:s24], [sflag:$0x3] =	stream.indirect.gather [hbm4b:s3+s22], $0x80, s7, s22, $0xb8;
	[tilespmem:$0x1F800] =	vst v63  }
0x6e: {  	_ =	swait.ge [sflag:s25], $0x2000  }
0x6f: {  	[sflag:s25] =	ssyncset.done $0x0  }
0x70: {  	s1 =	simm.s32 $0x1380;
	[sflag:s25] =	ssyncadd.s32 $0xFFFFE000  }
0x71: {  	[tilespmem:s26], [sflag:$0x4] =	stream.indirect.gather [hbm4b:s3+s22], $0x80, s1, s22, $0xb8;
	[tilespmem:$0x1F800] =	vst v63  }
0x72: {  	_ =	swait.ge [sflag:s28], $0x2000  }
0x73: {  	[sflag:s28] =	ssyncset.done $0x0  }
0x74: {  	s8 =	simm.s32 $0x13C0;
	[sflag:s28] =	ssyncadd.s32 $0xFFFFE000  }
0x75: {  	[tilespmem:s29], [sflag:$0x5] =	stream.indirect.gather [hbm4b:s3+s22], $0x80, s8, s22, $0xb8;
	[tilespmem:$0x1F800] =	vst v63  }
0x76: {  	_ =	swait.ge [sflag:s30], $0x2000  }
.Ltmp4:
0x77: {  	[sflag:s30] =	ssyncset.done $0x0;
	(pc) =	sbr.rel .LBB2_6-.Ltmp4, $4  }
0x78: {  	[sflag:s30] =	ssyncadd.s32 $0xFFFFE000  }
0x79: {  	_ =	swait.ge [sflag:s31], $0x2000  }
0x7a: {  	[sflag:s31] =	ssyncset.done $0x0  }
0x7b: {  	[sflag:s31] =	ssyncadd.s32 $0xFFFFE000  }
.LBB2_7:
0x7c: {  	_ =	sfence.sel $0x180000  }
0x7d: {  	[bflag:$0x0] =	sbarrier.arrive $0xFFFF  }
0x7e: {  	_ =	strace $0x9000004A  }
0x7f: {  	s0 =	stileid.u32;
	[bflag:$0x2] =	sbarrier.arrive $0xFFFF  }
0x80: {  	p0 =	sne.s32 s0, $0x0;
	s0 =	rddreg [dreg:$0x3]  }
0x81: {  	s0 =	sadd.s32 @!p0 $0x100000, s0  }
0x82: {  	[sflag:s0] =	ssyncadd.tile.s32 @!p0 $0x1;
	_ =	shalt  }
.Lfunc_end2:
_tile_overlayer_lowered:
.L_overlay_start_2:
0x83: {  	(tag) =	ssettag $0x2  }
0x84: {  	s0 =	rddreg [dreg:$0x0];
	s2 =	stileid.u32  }
0x85: {  	s1 =	rddreg [dreg:$0x1];
	p0 =	sne.s32 s2, $0x0  }
0x86: {  	s3 =	rddreg [dreg:$0x2];
	[bflag:$0x3] =	sbarrier.arrive $0xFFFF;
	s2 =	simm.s32 @!p0 $0x1C06  }
0x87: {  	[timem:s3], [sflag:s2] =	dma.local @!p0 [hbm:s0], s1  }
0x88: {  	s0 =	simm.s32 @!p0 $0x6  }
0x89: {  	_ =	swait.ge @!p0 [sflag:s0], s1  }
0x8a: {  	s1 =	ssub.s32 @!p0 $0x0, s1;
	[sflag:s0] =	ssyncset.done @!p0 $0x0  }
0x8b: {  	[sflag:s0] =	ssyncadd.s32 @!p0 s1  }
0x8c: {  	[bflag:$0x3] =	sbarrier.arrive $0xFFFF  }
0x8d: {  	_ =	shalt  }

// kernel: kernel.7.cloned.1.call-start
scs
__scs_entry_jumppad:
0x0: {  	(pc) =	sbr.rel $0x88, $3  }
0x1: {  	(tag) =	ssettag $0x0;
	lr =	simm.s32 $0x1  }
0x2: {  	[smem:$0x3F98] =	sst lr;
	_ =	strace $0xD0000000  }
0x3: {  	_ = 	snop  }
0x4: {  	_ = 	snop  }
0x5: {  	_ = 	snop  }
0x6: {  	_ = 	snop  }
0x7: {  	_ = 	snop  }
__scs_overlays_trampoline_lowered:
0x8: {  	[smem:$0x3FA7] =	sst s0  }
0x9: {  	[smem:$0x3FA8] =	sst s1  }
0xa: {  	[smem:$0x3FA9] =	sst s2  }
0xb: {  	[smem:$0x3FAA] =	sst s3  }
0xc: {  	[smem:$0x3FAB] =	sst s4  }
0xd: {  	[smem:$0x3FAC] =	sst s5  }
0xe: {  	[smem:$0x3FAD] =	sst s6  }
0xf: {  	[smem:$0x3FAE] =	sst s7  }
0x10: {  	[smem:$0x3FAF] =	sst s8  }
0x11: {  	[smem:$0x3FB0] =	sst s9;
	s0 =	simm.s32 @!p0 $0x0  }
0x12: {  	s1 =	sld [smem:$0x3F96];
	s0 =	simm.s32 @p0 $0x1  }
0x13: {  	[smem:$0x3FB1] =	sst s0;
	s0 =	simm.s32 @!p1 $0x0  }
0x14: {  	s2 =	sld [smem:$0x3F95];
	s0 =	simm.s32 @p1 $0x1  }
0x15: {  	[smem:$0x3FB2] =	sst s0;
	s0 =	simm.s32 @!p2 $0x0  }
0x16: {  	s3 =	sld [smem:$0x3FDB];
	s0 =	simm.s32 @p2 $0x1  }
0x17: {  	s4 =	simm.s32 $0x1BF5;
	[smem:$0x3FB4] =	sst s0  }
0x18: {  	s0 =	sld [smem:$0x3F97];
	_ =	swait.ge [sflag:s4], $0x0  }
0x19: {  	s7 =	sld [smem:$0x3F98]  }
0x1a: {  	s8 =	sadd.s32 $0xFFFFE003, lr  }
0x1b: {  	s9 =	sadd.s32 $0xFFFFFEF7, lr;
	s5 =	simm.s32 $0xFFFFFFFF;
	p2 =	slt.u32 s8, $0xFFFFF086  }
0x1c: {  	p1 =	slt.u32 s9, $0xF7A;
	s5 =	simm.s32 @!p2 $0x0  }
0x1d: {  	s5 =	simm.s32 @p1 $0x1;
	p0 =	seq.s32 s7, s2  }
0x1e: {  	s7 =	smul.u32 @!p0 $0xF7A, s2;
	p2 =	seq.s32 @!p0 s5, $0x0  }
0x1f: {  	s9 =	smul.u32 $0xF7A, s1;
	s8 =	simm.s32 @!p0 $0x1BF5;
	p2 =	por !p2, p0  }
0x20: {  	[sflag:s8] =	ssyncset.s32 @!p0 $0xFFFFF086;
	s6 =	sadd.s32 @!p0 s3, s7;
	s7 =	simm.s32 @!p0 $0x108  }
0x21: {  	s3 =	sadd.s32 s3, s9;
	s6 =	sadd.s32 @!p0 $0x88, s6;
	s7 =	simm.s32 @p2 $0x1082  }
0x22: {  	[simem:s7], [sflag:s8] =	dma.local @!p0 [hbm:s6], $0xF7A  }
0x23: {  	s9 =	sor.u32 $0xD0000000, s2;
	s6 =	simm.s32 $0x108;
	_ =	swait.ge @!p0 [sflag:s8], $0x0  }
0x24: {  	s3 =	sadd.s32 $0x88, s3;
	s6 =	simm.s32 @!p1 $0x1082;
	[sflag:s4] =	ssyncset.s32 $0xFFFFF086  }
0x25: {  	[simem:s6], [sflag:s4] =	dma.local [hbm:s3], $0xF7A  }
0x26: {  	[smem:$0x3F98] =	sst s1;
	(tag) =	ssettag s2;
	_ =	strace s9  }
0x27: {  	s1 =	sld [smem:$0x3FA8]  }
0x28: {  	s2 =	sld [smem:$0x3FA9]  }
0x29: {  	s4 =	sld [smem:$0x3FAB]  }
0x2a: {  	p0 =	seq.s32 s5, $0x0;
	s5 =	sld [smem:$0x3FAC]  }
0x2b: {  	s6 =	sld [smem:$0x3FAD]  }
0x2c: {  	s7 =	sld [smem:$0x3FAE]  }
0x2d: {  	s3 =	simm.s32 $0x108;
	s8 =	sld [smem:$0x3FAF]  }
0x2e: {  	s3 =	simm.s32 @!p0 $0x1082;
	s9 =	sld [smem:$0x3FB0]  }
0x2f: {  	lr =	sadd.s32 s0, s3;
	s0 =	sld [smem:$0x3FA7]  }
0x30: {  	s3 =	sld [smem:$0x3FAA]  }
0x31: {  	[smem:$0x3FB3] =	sst s10  }
0x32: {  	s10 =	sld [smem:$0x3FB1];
	_ =	sdelay $0x3  }
0x33: {  	p0 =	seq.s32 s10, $0x1;
	s10 =	sld [smem:$0x3FB3];
	_ =	sdelay $0x3  }
0x34: {  	[smem:$0x3FB3] =	sst s10  }
0x35: {  	s10 =	sld [smem:$0x3FB2];
	_ =	sdelay $0x3  }
0x36: {  	p1 =	seq.s32 s10, $0x1;
	s10 =	sld [smem:$0x3FB3];
	_ =	sdelay $0x3  }
0x37: {  	[smem:$0x3FB3] =	sst s10  }
0x38: {  	s10 =	sld [smem:$0x3FB4]  }
0x39: {  	_ = 	snop;
	(pc) =	sbr.ind lr, $3  }
0x3a: {  	_ = 	snop  }
0x3b: {  	_ = 	snop  }
0x3c: {  	p2 =	seq.s32 s10, $0x1;
	s10 =	sld [smem:$0x3FB3]  }
0x3d: {  	_ =	shalt  }
0x3e: {  	_ =	shalt  }
0x3f: {  	_ =	shalt  }
0x40: {  	_ =	shalt  }
0x41: {  	_ =	shalt  }
0x42: {  	_ =	shalt  }
0x43: {  	_ =	shalt  }
0x44: {  	_ =	shalt  }
0x45: {  	_ =	shalt  }
0x46: {  	_ =	shalt  }
0x47: {  	_ =	shalt  }
0x48: {  	_ =	shalt  }
0x49: {  	_ =	shalt  }
0x4a: {  	_ =	shalt  }
0x4b: {  	_ =	shalt  }
0x4c: {  	_ =	shalt  }
0x4d: {  	_ =	shalt  }
0x4e: {  	_ =	shalt  }
0x4f: {  	_ =	shalt  }
0x50: {  	_ =	shalt  }
0x51: {  	_ =	shalt  }
0x52: {  	_ =	shalt  }
0x53: {  	_ =	shalt  }
0x54: {  	_ =	shalt  }
0x55: {  	_ =	shalt  }
0x56: {  	_ =	shalt  }
0x57: {  	_ =	shalt  }
0x58: {  	_ =	shalt  }
0x59: {  	_ =	shalt  }
0x5a: {  	_ =	shalt  }
0x5b: {  	_ =	shalt  }
0x5c: {  	_ =	shalt  }
0x5d: {  	_ =	shalt  }
0x5e: {  	_ =	shalt  }
0x5f: {  	_ =	shalt  }
0x60: {  	_ =	shalt  }
0x61: {  	_ =	shalt  }
0x62: {  	_ =	shalt  }
0x63: {  	_ =	shalt  }
0x64: {  	_ =	shalt  }
0x65: {  	_ =	shalt  }
0x66: {  	_ =	shalt  }
0x67: {  	_ =	shalt  }
0x68: {  	_ =	shalt  }
0x69: {  	_ =	shalt  }
0x6a: {  	_ =	shalt  }
0x6b: {  	_ =	shalt  }
0x6c: {  	_ =	shalt  }
0x6d: {  	_ =	shalt  }
0x6e: {  	_ =	shalt  }
0x6f: {  	_ =	shalt  }
0x70: {  	_ =	shalt  }
0x71: {  	_ =	shalt  }
0x72: {  	_ =	shalt  }
0x73: {  	_ =	shalt  }
0x74: {  	_ =	shalt  }
0x75: {  	_ =	shalt  }
0x76: {  	_ =	shalt  }
0x77: {  	_ =	shalt  }
0x78: {  	_ =	shalt  }
0x79: {  	_ =	shalt  }
0x7a: {  	_ =	shalt  }
0x7b: {  	_ =	shalt  }
0x7c: {  	_ =	shalt  }
0x7d: {  	_ =	shalt  }
0x7e: {  	_ =	shalt  }
0x7f: {  	_ =	shalt  }
0x80: {  	_ =	shalt  }
0x81: {  	_ =	shalt  }
0x82: {  	_ =	shalt  }
0x83: {  	_ =	shalt  }
0x84: {  	_ =	shalt  }
0x85: {  	_ =	shalt  }
0x86: {  	_ =	shalt  }
0x87: {  	_ =	shalt  }
.Lfunc_end0:
.L_simem_size_0:
called_computation_lowered:
.L_overlay_start_0:
0x88: {  	s2 =	sld [smem:$0x3FD9]  }
0x89: {  	s3 =	sld [smem:$0x3FFE];
	_ =	sdelay $0x1  }
0x8a: {  	s1 =	srdreg.scid  }
0x8b: {  	s0 =	sand.u32 $0x1, s1  }
0x8c: {  	s17 =	sshll.u32 s0, $0xA;
	s2 =	sadd.s32 s3, s2  }
0x8d: {  	s2 =	sadd.s32 s2, s17  }
0x8e: {  	[smem:$0x3FBF] =	sst s2  }
0x8f: {  	_ = 	snop  }
0x90: {  	s2 =	sld [smem:$0x3FD0];
	(tm) =	ssettm $0x1  }
0x91: {  	s18 =	sld [smem:$0x3FFB];
	_ =	sdelay $0x3  }
0x92: {  	_ =	strace s18  }
0x93: {  	s3 =	sld [smem:$0x3FFC];
	_ =	sdelay $0x3  }
0x94: {  	_ =	strace s3  }
0x95: {  	s3 =	sld [smem:$0x3FFD];
	_ =	sdelay $0x3  }
0x96: {  	_ =	strace s3  }
0x97: {  	_ =	strace $0x8FFFFFFF  }
0x98: {  	s19 =	sld [smem:$0x3FDB];
	_ =	sdelay $0x1  }
0x99: {  	s4 =	simm.s32 $_scs_section_size  }
0x9a: {  	s5 =	simm.s32 $_size__tile_overlayer_lowered;
	s6 =	simm.s32 $_tile_overlayer_lowered  }
0x9b: {  	s22 =	simm.s32 $0x1BFF;
	s21 =	sshll.u32 s6, $0x1;
	s3 =	sadd.s32 s4, s19  }
0x9c: {  	s7 =	simm.s32 $0x0;
	s20 =	sshll.u32 s5, $0x1;
	s5 =	sadd.s32 s21, s3  }
0x9d: {  	[timem:s7], [sflag:s22] =	dma.local [hbm:s5], s20  }
0x9e: {  	_ =	swait.ge [sflag:s22], s20  }
0x9f: {  	s4 =	ssub.s32 $0x0, s20;
	[sflag:s22] =	ssyncset.done $0x0  }
0xa0: {  	[sflag:s22] =	ssyncadd.s32 s4;
	_ =	sdelay $0x1  }
0xa1: {  	s23 =	simm.s32 $0x1B8B  }
0xa2: {  	_ =	swait.ge [sflag:s23], $0x1  }
0xa3: {  	[sflag:s23] =	ssyncset.done $0x0  }
0xa4: {  	s25 =	simm.s32 $0x1B8E;
	s24 =	sld [smem:$0x3FFE];
	[sflag:s23] =	ssyncadd.s32 $0xFFFFFFFF  }
0xa5: {  	s26 =	simm.s32 $execute0_lowered;
	[smem:$0x3FD2] =	sst s25  }
0xa6: {  	s5 =	sshll.u32 s26, $0x1;
	_ =	strace $0x80000046;
	[dreg:$0x1] =	wrdreg $0xFFFFFFFF  }
0xa7: {  	s28 =	simm.s32 $_size_execute0_lowered;
	s3 =	sadd.s32 s3, s5;
	[dreg:$0x0] =	wrdreg $0x0  }
0xa8: {  	s5 =	sshll.u32 s28, $0x1;
	[dreg:$0x2] =	wrdreg s3  }
0xa9: {  	[dreg:$0x3] =	wrdreg s5  }
0xaa: {  	[dreg:$0x4] =	wrdreg $0xC0  }
0xab: {  	_ =	task [dreg:s7], $0x5FFFF  }
0xac: {  	[dreg:$0x1] =	wrdreg $0xFFFFFFFF  }
0xad: {  	[dreg:$0x0] =	wrdreg $0x60  }
0xae: {  	[dreg:$0x2] =	wrdreg s24  }
0xaf: {  	[dreg:$0x3] =	wrdreg s2  }
0xb0: {  	[dreg:$0x4] =	wrdreg $0xBC000  }
0xb1: {  	[dreg:$0x5] =	wrdreg $0x9  }
0xb2: {  	_ =	task.clear_ibuf [dreg:s7], $0x6FFFF;
	_ =	strace $0x90000046  }
0xb3: {  	s29 =	simm.s32 $0x9;
	_ =	strace $0x80000048  }
0xb4: {  	_ =	swait.ge [sflag:s29], $0x1  }
0xb5: {  	[sflag:s29] =	ssyncadd.s32 $0xFFFFFFFF  }
0xb6: {  	_ =	strace $0x90000048  }
0xb7: {  	_ =	sfence  }
0xb8: {  	s30 =	sld [smem:$0x0];
	_ =	sdelay $0x2  }
0xb9: {  	s31 =	sshll.u32 s1, $0xD;
	s1 =	sshrl.u32 s1, $0x2  }
0xba: {  	s3 =	sand.u32 $0x4000, s31;
	s1 =	sadd.s32 s1, s30  }
0xbb: {  	s0 =	sor.u32 s3, s0;
	s1 =	sshll.u32 s1, $0x11  }
0xbc: {  	s0 =	sor.u32 s1, s0  }
0xbd: {  	s0 =	sadd.s32 $0x8F2B, s0  }
0xbe: {  	[sflag:s0] =	ssyncadd.remote.s32 $0x1  }
0xbf: {  	_ =	sfence.sel $0xFFFF  }
0xc0: {  	[dreg:$0x0] =	wrdreg $0xFFFFFFFF;
	(pc) =	sbr.abs _section_cstart, $3  }
0xc1: {  	[dreg:$0x1] =	wrdreg $0xFFFFFFFF  }
0xc2: {  	_ =	task.clear_ibuf [dreg:s7], $0x2FFFF;
	_ =	strace $0x9FFFFFFF  }
0xc3: {  	(tm) =	ssettm $0x7FFFFFFF  }
tec
execute0_lowered:
.L_overlay_start_1:
0x0: {  	(tag) =	ssettag $0x1  }
0x1: {  	s0 =	rddreg [dreg:$0x0]  }
0x2: {  	s7 =	rddreg [dreg:$0x1]  }
0x3: {  	s1 =	srdreg.scid;
	s10 =	rddreg [dreg:$0x2]  }
0x4: {  	s19 =	stileid.u32;
	s2 =	simm.s32 $0x0;
	s28 =	simm.s32 $0x3  }
0x5: {  	s29 =	simm.s32 $0x9C00;
	s30 =	simm.s32 $0x4;
	s8 =	smul.u32 $0x2780, s19  }
0x6: {  	s31 =	simm.s32 $0x5;
	s1 =	sand.u32 $0x1, s1;
	s12 =	smul.u32 $0x4F000, s19  }
0x7: {  	[smem:$0x7FF] =	sst s2;
	s13 =	sadd.s32 $0x38600, s0;
	s23 =	smul.u32 $0x13C00, s19  }
0x8: {  	s15 =	sadd.s32 $0x128400, s10;
	p1 =	seq.s32 s19, $0xF;
	s26 =	sshll.u32 s19, $0x6  }
0x9: {  	s3 =	sshll.u32 s1, $0x4;
	_ =	strace $0x80000047;
	s6 =	ssub.s32 $0x2, s1  }
0xa: {  	s22 =	smul.u32 $0x138800, s1;
	p0 =	sne.s32 s1, $0x0;
	s15 =	sshrl.u32 @p1 s15, $0x3  }
0xb: {  	s20 =	sor.u32 $0x1C06, s26;
	s26 =	simm.s32 $0x7C00;
	s3 =	sor.u32 s19, s3  }
0xc: {  	s9 =	sadd.s32 s8, s0;
	s11 =	sshrl.u32 s6, $0x1;
	s4 =	smul.u32 $0x280, s3  }
0xd: {  	s21 =	sshrl.u32 s12, $0x2;
	s8 =	sadd.s32 s7, s8;
	s5 =	smul.u32 $0x500, s3  }
0xe: {  	s3 =	sadd.s32 $0x144600, s0;
	s14 =	ssub.s32 s6, s11;
	s6 =	sadd.s32 s21, s10  }
0xf: {  	s9 =	sadd.s32 $0x10E00, s9;
	[dreg:$0x5] =	wrdreg s8;
	s12 =	sadd.s32 s23, s22  }
0x10: {  	s11 =	sshrl.u32 s22, $0x3;
	s21 =	simm.s32 $0x6;
	s22 =	simm.s32 $0x40  }
0x11: {  	s23 =	simm.s32 $0x3C00;
	[dreg:$0x4] =	wrdreg s9;
	s9 =	sadd.s32 $0x25080, s7  }
0x12: {  	s7 =	sadd.s32 $0x138800, s10;
	s10 =	sadd.s32 $0x37F00, s0;
	s24 =	sshrl.u32 s12, $0x3  }
0x13: {  	s25 =	sadd.s32 s13, s11;
	s18 =	sshrl.u32 @!p1 s6, $0x3;
	s4 =	sadd.s32 s4, s0  }
.Ltmp0:
0x14: {  	s5 =	sadd.s32 s5, s0;
	s11 =	sadd.s32 s13, s24;
	(pc) =	sbr.rel .LBB2_1-.Ltmp0, $4  }
0x15: {  	s12 =	sadd.s32 $0x25080, s25;
	s13 =	smax.u32 s14, $0x1;
	s14 =	simm.s32 $0x1400  }
0x16: {  	s16 =	sshrl.u32 @p1 s7, $0x3;
	s0 =	sshll.u32 @!p1 s19, $0x6;
	s19 =	simm.s32 $0x1  }
0x17: {  	s24 =	simm.s32 $0x5C00;
	s25 =	simm.s32 $0x2;
	s4 =	sadd.s32 $0xBE00, s4  }
0x18: {  	s5 =	sadd.s32 $0x1E00, s5;
	s17 =	sor.u32 @!p1 $0x1C06, s0;
	s0 =	simm.s32 $0x0  }
.LBB2_2:
0x19: {  	s1 =	simm.s32 @p1 $0x1FC6;
	s7 =	simm.s32 @p1 $0x6  }
0x1a: {  	[spmem:s15], [sflag:s1] =	dma.local @p1 [hbm:s9], $0x2080  }
0x1b: {  	_ =	swait.ge @p1 [sflag:s7], $0x2080  }
0x1c: {  	[sflag:s7] =	ssyncset.done @p1 $0x0  }
0x1d: {  	[sflag:s7] =	ssyncadd.s32 @p1 $0xFFFFDF80  }
0x1e: {  	[spmem:s16], [sflag:s1] =	dma.local @p1 [hbm:s10], $0x700  }
0x1f: {  	_ =	swait.ge @p1 [sflag:s7], $0x700  }
0x20: {  	[sflag:s7] =	ssyncset.done @p1 $0x0  }
0x21: {  	s1 =	rddreg [dreg:$0x5];
	[sflag:s7] =	ssyncadd.s32 @p1 $0xFFFFF900  }
0x22: {  	[spmem:s18], [sflag:s17] =	dma.local @!p1 [hbm:s1], $0x2780  }
0x23: {  	s1 =	simm.s32 @!p1 $0x6  }
0x24: {  	_ =	swait.ge @!p1 [sflag:s1], $0x2780  }
0x25: {  	[sflag:s1] =	ssyncset.done @!p1 $0x0  }
0x26: {  	[sflag:s1] =	ssyncadd.s32 @!p1 $0xFFFFD880  }
0x27: {  	[bflag:$0x0] =	sbarrier.arrive $0xFFFF  }
0x28: {  	_ =	swait.ge [sflag:s19], $0x1400  }
0x29: {  	[sflag:s19] =	ssyncset.done $0x0  }
0x2a: {  	[sflag:s19] =	ssyncadd.s32 $0xFFFFEC00  }
0x2b: {  	_ =	swait.ge [sflag:s19], $0x2800  }
0x2c: {  	[sflag:s19] =	ssyncset.done $0x0  }
0x2d: {  	[sflag:s19] =	ssyncadd.s32 $0xFFFFD800  }
.LBB2_6:
0x2e: {  	[bflag:$0x0] =	sbarrier.arrive $0xFFFF;
	s1 =	simm.s32 @p1 $0x1FC6  }
0x2f: {  	[hbm:s12], [sflag:s1] =	dma.local @p1 [spmem:s15], $0x2080  }
0x30: {  	s1 =	simm.s32 @p1 $0x6  }
0x31: {  	_ =	swait.ge @p1 [sflag:s1], $0x2080  }
0x32: {  	s0 =	sadd.s32 $0x1, s0;
	[sflag:s1] =	ssyncset.done @p1 $0x0  }
0x33: {  	p2 =	sne.s32 s0, s13;
	[sflag:s1] =	ssyncadd.s32 @p1 $0xFFFFDF80;
	s1 =	simm.s32 @!p1 $0x6  }
0x34: {  	[hbm:s11], [sflag:s17] =	dma.local @!p1 [spmem:s18], $0x2780  }
.Ltmp1:
0x35: {  	_ =	swait.ge @!p1 [sflag:s1], $0x2780;
	(pc) =	sbr.rel @!p2 .LBB2_7-.Ltmp1, $3  }
0x36: {  	[sflag:s1] =	ssyncset.done @!p1 $0x0  }
0x37: {  	[sflag:s1] =	ssyncadd.s32 @!p1 $0xFFFFD880  }
0x38: {  	[bflag:$0x0] =	sbarrier.arrive $0xFFFF;
	_ =	sdelay $0x1  }
.LBB2_1:
.Ltmp2:
0x39: {  	(pc) =	sbr.rel @!p0 .LBB2_2-.Ltmp2, $4  }
0x3a: {  	_ = 	snop  }
0x3b: {  	[tilespmem:s2], [sflag:$0x1] =	stream.linear.gather [hbm4b:s4+s2], $0x1400, $0x38;
	[tilespmem:$0x1F800] =	vst v63  }
0x3c: {  	_ = 	snop  }
0x3d: {  	[tilespmem:s14], [sflag:$0x1] =	stream.linear.gather [hbm4b:s5+s2], $0x2800, $0x38;
	[tilespmem:$0x1F800] =	vst v63  }
0x3e: {  	s1 =	sshrl.u32 s6, $0x3;
	s7 =	rddreg [dreg:$0x4]  }
0x3f: {  	[spmem:s1], [sflag:s20] =	dma.local [hbm:s7], $0x2780  }
0x40: {  	_ =	swait.ge [sflag:s21], $0x2780  }
0x41: {  	[sflag:s21] =	ssyncset.done $0x0  }
0x42: {  	[sflag:s21] =	ssyncadd.s32 $0xFFFFD880  }
0x43: {  	[bflag:$0x0] =	sbarrier.arrive $0xFFFF  }
0x44: {  	_ =	swait.ge [sflag:s19], $0x1400  }
0x45: {  	[sflag:s19] =	ssyncset.done $0x0  }
0x46: {  	[sflag:s19] =	ssyncadd.s32 $0xFFFFEC00  }
0x47: {  	_ =	swait.ge [sflag:s19], $0x2800  }
0x48: {  	[sflag:s19] =	ssyncset.done $0x0  }
0x49: {  	[sflag:s19] =	ssyncadd.s32 $0xFFFFD800  }
0x4a: {  	[tilespmem:s23], [sflag:$0x2] =	stream.indirect.gather [hbm4b:s3+s22], $0x80, s2, s22, $0xb8;
	[tilespmem:$0x1F800] =	vst v63  }
0x4b: {  	_ = 	snop  }
0x4c: {  	[tilespmem:s24], [sflag:$0x3] =	stream.indirect.gather [hbm4b:s3+s22], $0x80, s22, s22, $0xb8;
	[tilespmem:$0x1F800] =	vst v63  }
0x4d: {  	_ =	swait.ge [sflag:s25], $0x2000  }
0x4e: {  	[sflag:s25] =	ssyncset.done $0x0  }
0x4f: {  	s8 =	simm.s32 $0x80;
	[sflag:s25] =	ssyncadd.s32 $0xFFFFE000  }
0x50: {  	[tilespmem:s26], [sflag:$0x4] =	stream.indirect.gather [hbm4b:s3+s22], $0x80, s8, s22, $0xb8;
	[tilespmem:$0x1F800] =	vst v63  }
0x51: {  	_ =	swait.ge [sflag:s28], $0x2000  }
0x52: {  	[sflag:s28] =	ssyncset.done $0x0  }
0x53: {  	s7 =	simm.s32 $0xC0;
	[sflag:s28] =	ssyncadd.s32 $0xFFFFE000  }
0x54: {  	[tilespmem:s29], [sflag:$0x5] =	stream.indirect.gather [hbm4b:s3+s22], $0x80, s7, s22, $0xb8;
	[tilespmem:$0x1F800] =	vst v63  }
0x55: {  	_ =	swait.ge [sflag:s30], $0x2000  }
0x56: {  	[sflag:s30] =	ssyncset.done $0x0  }
0x57: {  	s8 =	simm.s32 $0x100;
	[sflag:s30] =	ssyncadd.s32 $0xFFFFE000  }
0x58: {  	[tilespmem:s23], [sflag:$0x2] =	stream.indirect.gather [hbm4b:s3+s22], $0x80, s8, s22, $0xb8;
	[tilespmem:$0x1F800] =	vst v63  }
0x59: {  	_ =	swait.ge [sflag:s31], $0x2000  }
0x5a: {  	[sflag:s31] =	ssyncset.done $0x0  }
0x5b: {  	s1 =	simm.s32 $0xFFFFB800;
	s7 =	simm.s32 $0x140;
	[sflag:s31] =	ssyncadd.s32 $0xFFFFE000  }
.LBB2_4:
0x5c: {  	[tilespmem:s24], [sflag:$0x3] =	stream.indirect.gather [hbm4b:s3+s22], $0x80, s7, s22, $0xb8;
	[tilespmem:$0x1F800] =	vst v63  }
0x5d: {  	s7 =	smov.u32 s1  }
0x5e: {  	p2 =	seq.s32 s1, $0xFFFFFC00;
	s1 =	sadd.s32 $0x400, s1;
	_ =	swait.ge [sflag:s25], $0x2000  }
0x5f: {  	s7 =	sshra.s32 s7, $0x2;
	[sflag:s25] =	ssyncset.done $0x0  }
0x60: {  	s8 =	sadd.s32 $0x1380, s7;
	[sflag:s25] =	ssyncadd.s32 $0xFFFFE000  }
0x61: {  	[tilespmem:s26], [sflag:$0x4] =	stream.indirect.gather [hbm4b:s3+s22], $0x80, s8, s22, $0xb8;
	[tilespmem:$0x1F800] =	vst v63  }
0x62: {  	_ =	swait.ge [sflag:s28], $0x2000  }
0x63: {  	[sflag:s28] =	ssyncset.done $0x0  }
0x64: {  	s8 =	sadd.s32 $0x13C0, s7;
	[sflag:s28] =	ssyncadd.s32 $0xFFFFE000  }
0x65: {  	[tilespmem:s29], [sflag:$0x5] =	stream.indirect.gather [hbm4b:s3+s22], $0x80, s8, s22, $0xb8;
	[tilespmem:$0x1F800] =	vst v63  }
0x66: {  	_ =	swait.ge [sflag:s30], $0x2000  }
0x67: {  	[sflag:s30] =	ssyncset.done $0x0  }
.Ltmp3:
0x68: {  	s8 =	sadd.s32 $0x1400, s7;
	[sflag:s30] =	ssyncadd.s32 $0xFFFFE000;
	(pc) =	sbr.rel @!p2 .LBB2_4-.Ltmp3, $4  }
0x69: {  	[tilespmem:s23], [sflag:$0x2] =	stream.indirect.gather [hbm4b:s3+s22], $0x80, s8, s22, $0xb8;
	[tilespmem:$0x1F800] =	vst v63  }
0x6a: {  	_ =	swait.ge [sflag:s31], $0x2000  }
0x6b: {  	[sflag:s31] =	ssyncset.done $0x0  }
0x6c: {  	s7 =	sadd.s32 $0x1440, s7;
	[sflag:s31] =	ssyncadd.s32 $0xFFFFE000  }
0x6d: {  	[tilespmem:s24], [sflag:$0x3] =	stream.indirect.gather [hbm4b:s3+s22], $0x80, s7, s22, $0xb8;
	[tilespmem:$0x1F800] =	vst v63  }
0x6e: {  	_ =	swait.ge [sflag:s25], $0x2000  }
0x6f: {  	[sflag:s25] =	ssyncset.done $0x0  }
0x70: {  	s1 =	simm.s32 $0x1380;
	[sflag:s25] =	ssyncadd.s32 $0xFFFFE000  }
0x71: {  	[tilespmem:s26], [sflag:$0x4] =	stream.indirect.gather [hbm4b:s3+s22], $0x80, s1, s22, $0xb8;
	[tilespmem:$0x1F800] =	vst v63  }
0x72: {  	_ =	swait.ge [sflag:s28], $0x2000  }
0x73: {  	[sflag:s28] =	ssyncset.done $0x0  }
0x74: {  	s8 =	simm.s32 $0x13C0;
	[sflag:s28] =	ssyncadd.s32 $0xFFFFE000  }
0x75: {  	[tilespmem:s29], [sflag:$0x5] =	stream.indirect.gather [hbm4b:s3+s22], $0x80, s8, s22, $0xb8;
	[tilespmem:$0x1F800] =	vst v63  }
0x76: {  	_ =	swait.ge [sflag:s30], $0x2000  }
.Ltmp4:
0x77: {  	[sflag:s30] =	ssyncset.done $0x0;
	(pc) =	sbr.rel .LBB2_6-.Ltmp4, $4  }
0x78: {  	[sflag:s30] =	ssyncadd.s32 $0xFFFFE000  }
0x79: {  	_ =	swait.ge [sflag:s31], $0x2000  }
0x7a: {  	[sflag:s31] =	ssyncset.done $0x0  }
0x7b: {  	[sflag:s31] =	ssyncadd.s32 $0xFFFFE000  }
.LBB2_7:
0x7c: {  	_ =	sfence.sel $0x180000  }
0x7d: {  	[bflag:$0x0] =	sbarrier.arrive $0xFFFF  }
0x7e: {  	_ =	strace $0x90000047  }
0x7f: {  	s0 =	stileid.u32;
	[bflag:$0x2] =	sbarrier.arrive $0xFFFF  }
0x80: {  	p0 =	sne.s32 s0, $0x0;
	s0 =	rddreg [dreg:$0x3]  }
0x81: {  	s0 =	sadd.s32 @!p0 $0x100000, s0  }
0x82: {  	[sflag:s0] =	ssyncadd.tile.s32 @!p0 $0x1;
	_ =	shalt  }
.Lfunc_end2:
_tile_overlayer_lowered:
.L_overlay_start_2:
0x83: {  	(tag) =	ssettag $0x2  }
0x84: {  	s0 =	rddreg [dreg:$0x0];
	s2 =	stileid.u32  }
0x85: {  	s1 =	rddreg [dreg:$0x1];
	p0 =	sne.s32 s2, $0x0  }
0x86: {  	s3 =	rddreg [dreg:$0x2];
	[bflag:$0x3] =	sbarrier.arrive $0xFFFF;
	s2 =	simm.s32 @!p0 $0x1C06  }
0x87: {  	[timem:s3], [sflag:s2] =	dma.local @!p0 [hbm:s0], s1  }
0x88: {  	s0 =	simm.s32 @!p0 $0x6  }
0x89: {  	_ =	swait.ge @!p0 [sflag:s0], s1  }
0x8a: {  	s1 =	ssub.s32 @!p0 $0x0, s1;
	[sflag:s0] =	ssyncset.done @!p0 $0x0  }
0x8b: {  	[sflag:s0] =	ssyncadd.s32 @!p0 s1  }
0x8c: {  	[bflag:$0x3] =	sbarrier.arrive $0xFFFF  }
0x8d: {  	_ =	shalt  }

</sc_bundles>
